<compile_context>
chip_gen: v7x
topology: tpu7x:2x2x1
jax: 0.10.2.dev20260603
libtpu: 0.0.44.dev20260713+nightly
codegen_flags: <defaults>
</compile_context>

<pallas_src>
import functools

import jax
import jax.numpy as jnp
from jax import lax
from jax.experimental import pallas as pl
from jax.experimental.pallas import tpu as pltpu
from jax.experimental.pallas import tpu_sc as plsc

EPS = 1e-5
NC = 2
NS = 16
LANES = 16
CH = 128



def _sc_mesh():
    return plsc.VectorSubcoreMesh(core_axis_name="c", subcore_axis_name="s",
                                  num_cores=NC)


def _make_deg_kernel(NPAD, EPT):
    NCHUNK = EPT // CH
    RPT = NPAD // NS
    NZC = RPT // CH

    @functools.partial(
        pl.kernel,
        out_type=jax.ShapeDtypeStruct((NC, NPAD, LANES), jnp.float32),
        mesh=_sc_mesh(),
        scratch_types=[
            pltpu.VMEM((CH,), jnp.int32),
            pltpu.VMEM((CH,), jnp.int32),
            pltpu.VMEM((CH, LANES), jnp.float32),
            pltpu.VMEM((CH, LANES), jnp.float32),
            pltpu.VMEM_SHARED((NPAD, LANES), jnp.float32),
        ],
    )
    def deg_kernel(dst_hbm, out_hbm, didx0, didx1, ones, zbuf, acc):
        c = lax.axis_index("c")
        s = lax.axis_index("s")
        wid = c * NS + s

        lane = lax.iota(jnp.int32, 16)
        onev = jnp.where(lane == 0, 1.0, 0.0).astype(jnp.float32)
        zv = jnp.zeros((16,), jnp.float32)

        def fill(i, carry):
            ones[i, pl.ds(0, 16)] = onev
            zbuf[i, pl.ds(0, 16)] = zv
            return carry
        lax.fori_loop(0, CH, fill, 0)

        def zacc(i, carry):
            pltpu.sync_copy(zbuf, acc.at[pl.ds(s * RPT + i * CH, CH)])
            return carry
        lax.fori_loop(0, NZC, zacc, 0)
        plsc.subcore_barrier()

        base = wid * EPT

        def chunk(i, carry):
            pltpu.sync_copy(dst_hbm.at[pl.ds(base + 2 * i * CH, CH)], didx0)
            pltpu.sync_copy(ones, acc.at[didx0], add=True)
            pltpu.sync_copy(dst_hbm.at[pl.ds(base + (2 * i + 1) * CH, CH)],
                            didx1)
            pltpu.sync_copy(ones, acc.at[didx1], add=True)
            return carry
        lax.fori_loop(0, NCHUNK // 2, chunk, 0)
        plsc.subcore_barrier()

        pltpu.sync_copy(acc.at[pl.ds(s * RPT, RPT)],
                        out_hbm.at[c].at[pl.ds(s * RPT, RPT)])

    return deg_kernel


def _make_spmm_kernel(N, D, NPAD, EPT):
    NCHUNK = EPT // CH
    RPT = NPAD // NS
    NZC = RPT // CH

    @functools.partial(
        pl.kernel,
        out_type=jax.ShapeDtypeStruct((NC, NPAD, D), jnp.float32),
        mesh=_sc_mesh(),
        scratch_types=[
            pltpu.VMEM((CH,), jnp.int32),
            pltpu.VMEM((CH,), jnp.int32),
            pltpu.VMEM((CH, D), jnp.float32),
            pltpu.VMEM_SHARED((NPAD, D), jnp.float32),
            pltpu.SemaphoreType.DMA,
        ],
    )
    def spmm_kernel(ys_hbm, src_hbm, dst_hbm, out_hbm, sidx, didx, rows,
                    acc, sem):
        c = lax.axis_index("c")
        s = lax.axis_index("s")
        wid = c * NS + s
        base = wid * EPT

        zv = jnp.zeros((16,), jnp.float32)

        def zrow(i, carry):
            rows[i // (D // 16), pl.ds((i % (D // 16)) * 16, 16)] = zv
            return carry
        lax.fori_loop(0, CH * D // 16, zrow, 0)

        def zacc(i, carry):
            pltpu.sync_copy(rows, acc.at[pl.ds(s * RPT + i * CH, CH)])
            return carry
        lax.fori_loop(0, NZC, zacc, 0)
        plsc.subcore_barrier()

        def body(i, carry):
            off = base + i * CH
            pltpu.sync_copy(src_hbm.at[pl.ds(off, CH)], sidx)
            pltpu.sync_copy(dst_hbm.at[pl.ds(off, CH)], didx)
            pltpu.async_copy(ys_hbm.at[sidx], rows, sem).wait()
            pltpu.sync_copy(rows, acc.at[didx], add=True)
            return carry
        lax.fori_loop(0, NCHUNK, body, 0)
        plsc.subcore_barrier()

        pltpu.sync_copy(acc.at[pl.ds(s * RPT, RPT)],
                        out_hbm.at[c].at[pl.ds(s * RPT, RPT)])

    return spmm_kernel



def _dinv_from(dg):
    return lax.rsqrt(dg[0, :, 0] + dg[1, :, 0] + 1.0)


def _pre_body(x_ref, w_ref, dg_ref, o_ref):
    dinv = _dinv_from(dg_ref[...])
    y = jnp.dot(x_ref[...], w_ref[...], preferred_element_type=jnp.float32)
    o_ref[...] = y * dinv[:, None]


def _sum_body(p_ref, ys_ref, dg_ref, z_ref, st_ref, *, n_rows):
    i = pl.program_id(0)
    dinv = _dinv_from(dg_ref[...])
    z = (p_ref[0] + p_ref[1] + ys_ref[...]) * dinv[:, None]
    z_ref[...] = z
    s1 = jnp.sum(z, axis=0)
    s2 = jnp.sum(z * z, axis=0)
    acc = jnp.concatenate(
        [s1[None, :], s2[None, :], jnp.zeros((6, z.shape[1]), jnp.float32)],
        axis=0)

    @pl.when(i == 0)
    def _():
        st_ref[...] = acc

    @pl.when(i > 0)
    def _():
        st_ref[...] = st_ref[...] + acc


def _bn_relu(z, st, gb, n_rows):
    inv_n = 1.0 / n_rows
    mu = st[0, :] * inv_n
    var = st[1, :] * inv_n - mu * mu
    rstd = lax.rsqrt(var + EPS)
    h = gb[0, :] * ((z - mu) * rstd) + gb[1, :]
    return jnp.maximum(h, 0.0)


def _apply_body(z_ref, st_ref, gb_ref, dg_ref, w_ref, o_ref, *, n_rows):
    h = _bn_relu(z_ref[...], st_ref[...], gb_ref[...], n_rows)
    dinv = _dinv_from(dg_ref[...])
    y = jnp.dot(h, w_ref[...], preferred_element_type=jnp.float32)
    o_ref[...] = y * dinv[:, None]


def _final_body(z_ref, st_ref, gb_ref, o_ref, *, n_rows):
    o_ref[...] = _bn_relu(z_ref[...], st_ref[...], gb_ref[...], n_rows)



def kernel(x, edge_index, batch, W0, b0, g0, be0, W1, b1, g1, be1,
           W2, b2, g2, be2):
    del batch, b0, b1, b2
    N, D = x.shape
    H = W0.shape[1]
    src, dst = edge_index[0], edge_index[1]
    E = src.shape[0]

    NW = NC * NS
    EPT = -(-E // (NW * 2 * CH)) * (2 * CH)
    EPAD = NW * EPT
    NPAD = -(-(N + 1) // (NS * CH)) * (NS * CH)
    pad = EPAD - E
    src_p = jnp.concatenate([src, jnp.zeros((pad,), src.dtype)])
    dst_p = jnp.concatenate([dst, jnp.full((pad,), N, dst.dtype)])

    deg_k = _make_deg_kernel(NPAD, EPT)
    spmm_k = _make_spmm_kernel(N, D, NPAD, EPT)

    BM = 1000
    NB = N // BM
    f32 = jnp.float32

    degp = deg_k(dst_p)

    dg_spec = pl.BlockSpec((2, BM, LANES), lambda i: (0, i, 0))

    pre = pl.pallas_call(
        _pre_body,
        grid=(NB,),
        in_specs=[
            pl.BlockSpec((BM, D), lambda i: (i, 0)),
            pl.BlockSpec((D, H), lambda i: (0, 0)),
            dg_spec,
        ],
        out_specs=pl.BlockSpec((BM, H), lambda i: (i, 0)),
        out_shape=jax.ShapeDtypeStruct((N, H), f32),
    )

    sum_call = pl.pallas_call(
        functools.partial(_sum_body, n_rows=N),
        grid=(NB,),
        in_specs=[
            pl.BlockSpec((NC, BM, H), lambda i: (0, i, 0)),
            pl.BlockSpec((BM, H), lambda i: (i, 0)),
            dg_spec,
        ],
        out_specs=[
            pl.BlockSpec((BM, H), lambda i: (i, 0)),
            pl.BlockSpec((8, H), lambda i: (0, 0)),
        ],
        out_shape=[
            jax.ShapeDtypeStruct((N, H), f32),
            jax.ShapeDtypeStruct((8, H), f32),
        ],
    )

    def apply_call(Wn):
        return pl.pallas_call(
            functools.partial(_apply_body, n_rows=N),
            grid=(NB,),
            in_specs=[
                pl.BlockSpec((BM, H), lambda i: (i, 0)),
                pl.BlockSpec((8, H), lambda i: (0, 0)),
                pl.BlockSpec((8, H), lambda i: (0, 0)),
                dg_spec,
                pl.BlockSpec((H, H), lambda i: (0, 0)),
            ],
            out_specs=pl.BlockSpec((BM, H), lambda i: (i, 0)),
            out_shape=jax.ShapeDtypeStruct((N, H), f32),
        )

    final_call = pl.pallas_call(
        functools.partial(_final_body, n_rows=N),
        grid=(NB,),
        in_specs=[
            pl.BlockSpec((BM, H), lambda i: (i, 0)),
            pl.BlockSpec((8, H), lambda i: (0, 0)),
            pl.BlockSpec((8, H), lambda i: (0, 0)),
        ],
        out_specs=pl.BlockSpec((BM, H), lambda i: (i, 0)),
        out_shape=jax.ShapeDtypeStruct((N, H), f32),
    )

    def gb(g, be):
        z6 = jnp.zeros((6, H), f32)
        return jnp.concatenate([g[None, :], be[None, :], z6], axis=0)

    ys = pre(x, W0, degp)

    parts = spmm_k(ys, src_p, dst_p)
    z, st = sum_call(parts, ys, degp)
    ys = apply_call(W1)(z, st, gb(g0, be0), degp, W1)

    parts = spmm_k(ys, src_p, dst_p)
    z, st = sum_call(parts, ys, degp)
    ys = apply_call(W2)(z, st, gb(g1, be1), degp, W2)

    parts = spmm_k(ys, src_p, dst_p)
    z, st = sum_call(parts, ys, degp)
    return final_call(z, st, gb(g2, be2))

# --- scband reference (transcript-rebuilt; emitter-appended) ---
"""Pipeline reference for scband-graph-encoder-66537633349984 (READ-ONLY COPY).

The authoritative reference and input builder live on the scoring server;
editing this copy changes nothing except your own understanding.
"""

import jax, jax.numpy as jnp
import numpy as np

N = 10000
E = 320000
D = 128
H = 128
EPS = 1e-5


def _gcn_conv(x, src, dst, W, b):
    n = x.shape[0]
    loop = jnp.arange(n, dtype=src.dtype)
    s = jnp.concatenate([src, loop])
    d = jnp.concatenate([dst, loop])
    xw = x @ W
    deg = jnp.zeros((n,), dtype=xw.dtype).at[d].add(1.0)
    dinv = jnp.where(deg > 0, deg ** -0.5, 0.0)
    norm = dinv[s] * dinv[d]
    msg = xw[s] * norm[:, None]
    out = jnp.zeros((n, xw.shape[1]), dtype=xw.dtype).at[d].add(msg)
    return out + b


def _bn(x, gamma, beta):
    mu = x.mean(axis=0)
    var = x.var(axis=0)
    return gamma * (x - mu) / jnp.sqrt(var + EPS) + beta


def setup_inputs(seed: int = 0):
    key = jax.random.key(seed)
    ks = jax.random.split(key, 16)
    inp = {}
    inp['x'] = jax.random.normal(ks[0], (N, D), dtype=jnp.float32)
    inp['edge_index'] = jax.random.randint(ks[1], (2, E), 0, N, dtype=jnp.int32)
    inp['batch'] = jnp.sort(jax.random.randint(ks[2], (N,), 0, 64, dtype=jnp.int32))
    dims = [(D, H), (H, H), (H, H)]
    for i, (fi, fo) in enumerate(dims):
        inp[f'W{i}'] = jax.random.normal(ks[3 + i], (fi, fo), dtype=jnp.float32) * (1.0 / np.sqrt(fi))
        inp[f'b{i}'] = jnp.zeros((fo,), dtype=jnp.float32)
        inp[f'g{i}'] = jnp.ones((fo,), dtype=jnp.float32)
        inp[f'be{i}'] = jnp.zeros((fo,), dtype=jnp.float32)
    return inp


def reference(x, edge_index, batch, W0, b0, g0, be0, W1, b1, g1, be1, W2, b2, g2, be2):
    src = edge_index[0]
    dst = edge_index[1]
    params = [(W0, b0, g0, be0), (W1, b1, g1, be1), (W2, b2, g2, be2)]
    h = x
    for (W, b, g, be) in params:
        h = _gcn_conv(h, src, dst, W, b)
        h = _bn(h, g, be)
        h = jax.nn.relu(h)
        # dropout is identity in eval/reference mode
    return h


if False:  # reference __main__ guard neutralized (emitter)
    out = reference(**setup_inputs())
    print(out.shape, out.dtype)

if __name__ == "__main__":
    import jax
    _d = setup_inputs()
    print(jax.jit(kernel)(*tuple(_d.values())))

</pallas_src>

<mosaic_0001>
#map = affine_map<(d0, d1) -> (0, 0)>
#map1 = affine_map<(d0, d1) -> (0)>
#map2 = affine_map<(d0, d1) -> (0, 0, 0)>
module attributes {stable_mosaic.version = 14 : i64} {
  func.func @spmm_kernel(%arg0: i32, %arg1: i32, %arg2: memref<10000x128xf32, #tpu.memory_space<hbm>>, %arg3: memref<327680xi32, #tpu.memory_space<hbm>>, %arg4: memref<327680xi32, #tpu.memory_space<hbm>>, %arg5: memref<2x10240x128xf32, #tpu.memory_space<hbm>>, %arg6: memref<128xi32, #tpu.memory_space<vmem>>, %arg7: memref<128xi32, #tpu.memory_space<vmem>>, %arg8: memref<128x128xf32, #tpu.memory_space<vmem>>, %arg9: memref<10240x128xf32, #tpu.memory_space<vmem_shared>>, %arg10: memref<!tpu.dma_semaphore, #tpu.memory_space<semaphore_mem>>) attributes {dimension_semantics = [#tpu.dimension_semantics<core_parallel>, #tpu.dimension_semantics<subcore_parallel>], iteration_bounds = array<i64: 2, 16>, scalar_prefetch = 0 : i64, scratch_operands = 5 : i64, tpu.core_type = #tpu.core_type<sc_vector_subcore>, window_params = [{transform_indices = #map}, {transform_indices = #map1}, {transform_indices = #map1}, {transform_indices = #map2}]} {
    %mul3A = arith.constant 16 : i32
    %mul3A_0 = arith.muli %arg0, %mul3A : i32
    %add3A = arith.addi %mul3A_0, %arg1 : i32
    %mul3A_1 = arith.constant 10240 : i32
    %mul3A_2 = arith.muli %add3A, %mul3A_1 : i32
    %broadcast_in_dim3A = arith.constant 0.000000e+00 : f32
    %broadcast_in_dim3A_3 = vector.broadcast %broadcast_in_dim3A : f32 to vector<16xf32>
    %scan3A = arith.constant 0 : i32
    %scan3A_4 = arith.constant 0 : i32
    %scan3A_5 = arith.constant 1024 : i32
    %scan3A_6 = arith.addi %scan3A_4, %scan3A_5 : i32
    %scan3A_7 = arith.constant 1 : i32
    scf.for %scan3A_26 = %scan3A_4 to %scan3A_6 step %scan3A_7  : i32 {
      %jit3A = arith.constant 8 : i32
      %div3A = arith.divsi %scan3A_26, %jit3A : i32
      %sign3A = arith.constant 0 : i32
      %sign3A_27 = arith.cmpi sgt, %scan3A_26, %sign3A : i32
      %sign3A_28 = arith.extui %sign3A_27 : i1 to i32
      %sign3A_29 = arith.constant 0 : i32
      %sign3A_30 = arith.cmpi slt, %scan3A_26, %sign3A_29 : i32
      %sign3A_31 = arith.extui %sign3A_30 : i1 to i32
      %sign3A_32 = arith.subi %sign3A_28, %sign3A_31 : i32
      %sign3A_33 = arith.constant 0 : i32
      %sign3A_34 = arith.cmpi sgt, %jit3A, %sign3A_33 : i32
      %sign3A_35 = arith.extui %sign3A_34 : i1 to i32
      %sign3A_36 = arith.constant 0 : i32
      %sign3A_37 = arith.cmpi slt, %jit3A, %sign3A_36 : i32
      %sign3A_38 = arith.extui %sign3A_37 : i1 to i32
      %sign3A_39 = arith.subi %sign3A_35, %sign3A_38 : i32
      %ne3A = arith.cmpi ne, %sign3A_32, %sign3A_39 : i32
      %rem3A = arith.remsi %scan3A_26, %jit3A : i32
      %ne3A_40 = arith.constant 0 : i32
      %ne3A_41 = arith.cmpi ne, %rem3A, %ne3A_40 : i32
      %and3A = arith.andi %ne3A, %ne3A_41 : i1
      %sub3A = arith.constant 1 : i32
      %sub3A_42 = arith.subi %div3A, %sub3A : i32
      %select_n3A = arith.select %and3A, %sub3A_42, %div3A : i32
      %jit3A_43 = arith.constant 8 : i32
      %eq3A = arith.constant 0 : i32
      %eq3A_44 = arith.cmpi eq, %jit3A_43, %eq3A : i32
      %jit3A_45 = arith.constant 1 : i32
      %select_n3A_46 = arith.select %eq3A_44, %jit3A_45, %jit3A_43 : i32
      %rem3A_47 = arith.remsi %scan3A_26, %select_n3A_46 : i32
      %ne3A_48 = arith.constant 0 : i32
      %ne3A_49 = arith.cmpi ne, %rem3A_47, %ne3A_48 : i32
      %lt3A = arith.constant 0 : i32
      %lt3A_50 = arith.cmpi slt, %rem3A_47, %lt3A : i32
      %lt3A_51 = arith.constant 0 : i32
      %lt3A_52 = arith.cmpi slt, %select_n3A_46, %lt3A_51 : i32
      %ne3A_53 = arith.xori %lt3A_50, %lt3A_52 : i1
      %and3A_54 = arith.andi %ne3A_53, %ne3A_49 : i1
      %add3A_55 = arith.addi %rem3A_47, %select_n3A_46 : i32
      %select_n3A_56 = arith.select %and3A_54, %add3A_55, %rem3A_47 : i32
      %mul3A_57 = arith.constant 16 : i32
      %mul3A_58 = arith.muli %select_n3A_56, %mul3A_57 : i32
      %swap3A = arith.index_cast %select_n3A : i32 to index
      %swap3A_59 = arith.index_cast %mul3A_58 : i32 to index
      %swap3A_60 = tpu.vector_load %arg8[%swap3A, %swap3A_59] {strides = array<i32>} : memref<128x128xf32, #tpu.memory_space<vmem>>, vector<1x16xf32>,
      %swap3A_61 = vector.shape_cast %swap3A_60 : vector<1x16xf32> to vector<16xf32>
      %swap3A_62 = vector.shape_cast %broadcast_in_dim3A_3 : vector<16xf32> to vector<1x16xf32>
      tpu.vector_store %arg8[%swap3A, %swap3A_59], %swap3A_62 {strides = array<i32>} : memref<128x128xf32, #tpu.memory_space<vmem>>, vector<1x16xf32>,
    }
    %scan3A_8 = arith.constant 1024 : i32
    %scan3A_9 = arith.constant 0 : i32
    %scan3A_10 = arith.constant 0 : i32
    %scan3A_11 = arith.constant 5 : i32
    %scan3A_12 = arith.addi %scan3A_10, %scan3A_11 : i32
    %scan3A_13 = arith.constant 1 : i32
    scf.for %scan3A_26 = %scan3A_10 to %scan3A_12 step %scan3A_13  : i32 {
      %mul3A_27 = arith.constant 640 : i32
      %mul3A_28 = arith.muli %arg1, %mul3A_27 : i32
      %mul3A_29 = arith.constant 128 : i32
      %mul3A_30 = arith.muli %scan3A_26, %mul3A_29 : i32
      %add3A_31 = arith.addi %mul3A_28, %mul3A_30 : i32
      "tpu.region"() ({
        %run_scoped3A = tpu.sem_alloc : memref<!tpu.dma_semaphore, #tpu.memory_space<semaphore_mem>>
        %dma_start3A = arith.constant 0 : i32
        %dma_start3A_32 = tpu.memref_slice %arg9[%add3A_31, %dma_start3A] : memref<10240x128xf32, #tpu.memory_space<vmem_shared>> -> memref<128x128xf32, #tpu.memory_space<vmem_shared>>
        %dma_start3A_33 = arith.constant 0 : i32
        %dma_start3A_34 = tpu.memref_slice %arg9[%add3A_31, %dma_start3A_33] : memref<10240x128xf32, #tpu.memory_space<vmem_shared>> -> memref<128x128xf32, #tpu.memory_space<vmem_shared>>
        tpu.enqueue_dma source(%arg8 : memref<128x128xf32, #tpu.memory_space<vmem>>) target(%dma_start3A_34 : memref<128x128xf32, #tpu.memory_space<vmem_shared>>) target_semaphore(%run_scoped3A : memref<!tpu.dma_semaphore, #tpu.memory_space<semaphore_mem>>)
        %dma_wait3A = arith.constant 0 : i32
        %dma_wait3A_35 = tpu.memref_slice %arg9[%add3A_31, %dma_wait3A] : memref<10240x128xf32, #tpu.memory_space<vmem_shared>> -> memref<128x128xf32, #tpu.memory_space<vmem_shared>>
        %dma_wait3A_36 = arith.constant 0 : i32
        %dma_wait3A_37 = tpu.memref_slice %arg9[%add3A_31, %dma_wait3A_36] : memref<10240x128xf32, #tpu.memory_space<vmem_shared>> -> memref<128x128xf32, #tpu.memory_space<vmem_shared>>
        tpu.wait_dma2 semaphore(%run_scoped3A : memref<!tpu.dma_semaphore, #tpu.memory_space<semaphore_mem>>) src(%arg8 : memref<128x128xf32, #tpu.memory_space<vmem>>) dst(%dma_wait3A_37 : memref<128x128xf32, #tpu.memory_space<vmem_shared>>)
        tpu.yield
      }) : () -> ()
    }
    %scan3A_14 = arith.constant 5 : i32
    %barrier3A = arith.constant 0 : index
    tpu.barrier barrier_id(%barrier3A)
    %scan3A_15 = arith.constant 0 : i32
    %scan3A_16 = arith.constant 0 : i32
    %scan3A_17 = arith.constant 80 : i32
    %scan3A_18 = arith.addi %scan3A_16, %scan3A_17 : i32
    %scan3A_19 = arith.constant 1 : i32
    scf.for %scan3A_26 = %scan3A_16 to %scan3A_18 step %scan3A_19  : i32 {
      %mul3A_27 = arith.constant 128 : i32
      %mul3A_28 = arith.muli %scan3A_26, %mul3A_27 : i32
      %add3A_29 = arith.addi %mul3A_2, %mul3A_28 : i32
      "tpu.region"() ({
        %run_scoped3A = tpu.sem_alloc : memref<!tpu.dma_semaphore, #tpu.memory_space<semaphore_mem>>
        %dma_start3A_34 = tpu.memref_slice %arg3[%add3A_29] : memref<327680xi32, #tpu.memory_space<hbm>> -> memref<128xi32, #tpu.memory_space<hbm>>
        %dma_start3A_35 = tpu.memref_slice %arg3[%add3A_29] : memref<327680xi32, #tpu.memory_space<hbm>> -> memref<128xi32, #tpu.memory_space<hbm>>
        tpu.enqueue_dma source(%dma_start3A_35 : memref<128xi32, #tpu.memory_space<hbm>>) target(%arg6 : memref<128xi32, #tpu.memory_space<vmem>>) target_semaphore(%run_scoped3A : memref<!tpu.dma_semaphore, #tpu.memory_space<semaphore_mem>>)
        %dma_wait3A_36 = tpu.memref_slice %arg3[%add3A_29] : memref<327680xi32, #tpu.memory_space<hbm>> -> memref<128xi32, #tpu.memory_space<hbm>>
        %dma_wait3A_37 = tpu.memref_slice %arg3[%add3A_29] : memref<327680xi32, #tpu.memory_space<hbm>> -> memref<128xi32, #tpu.memory_space<hbm>>
        tpu.wait_dma2 semaphore(%run_scoped3A : memref<!tpu.dma_semaphore, #tpu.memory_space<semaphore_mem>>) src(%dma_wait3A_37 : memref<128xi32, #tpu.memory_space<hbm>>) dst(%arg6 : memref<128xi32, #tpu.memory_space<vmem>>)
        tpu.yield
      }) : () -> ()
      "tpu.region"() ({
        %run_scoped3A = tpu.sem_alloc : memref<!tpu.dma_semaphore, #tpu.memory_space<semaphore_mem>>
        %dma_start3A_34 = tpu.memref_slice %arg4[%add3A_29] : memref<327680xi32, #tpu.memory_space<hbm>> -> memref<128xi32, #tpu.memory_space<hbm>>
        %dma_start3A_35 = tpu.memref_slice %arg4[%add3A_29] : memref<327680xi32, #tpu.memory_space<hbm>> -> memref<128xi32, #tpu.memory_space<hbm>>
        tpu.enqueue_dma source(%dma_start3A_35 : memref<128xi32, #tpu.memory_space<hbm>>) target(%arg7 : memref<128xi32, #tpu.memory_space<vmem>>) target_semaphore(%run_scoped3A : memref<!tpu.dma_semaphore, #tpu.memory_space<semaphore_mem>>)
        %dma_wait3A_36 = tpu.memref_slice %arg4[%add3A_29] : memref<327680xi32, #tpu.memory_space<hbm>> -> memref<128xi32, #tpu.memory_space<hbm>>
        %dma_wait3A_37 = tpu.memref_slice %arg4[%add3A_29] : memref<327680xi32, #tpu.memory_space<hbm>> -> memref<128xi32, #tpu.memory_space<hbm>>
        tpu.wait_dma2 semaphore(%run_scoped3A : memref<!tpu.dma_semaphore, #tpu.memory_space<semaphore_mem>>) src(%dma_wait3A_37 : memref<128xi32, #tpu.memory_space<hbm>>) dst(%arg7 : memref<128xi32, #tpu.memory_space<vmem>>)
        tpu.yield
      }) : () -> ()
      %dma_start3A = arith.constant 0 : i32
      %dma_start3A_30 = arith.constant 0 : i32
      %dma_start3A_31 = tpu.memref_slice %arg2[%dma_start3A, %dma_start3A_30] : memref<10000x128xf32, #tpu.memory_space<hbm>> -> memref<10000x128xf32, #tpu.memory_space<hbm>>
      tpu.enqueue_indirect_dma source(%dma_start3A_31 : memref<10000x128xf32, #tpu.memory_space<hbm>>) target(%arg8 : memref<128x128xf32, #tpu.memory_space<vmem>>) offsets(%arg6 : memref<128xi32, #tpu.memory_space<vmem>>) semaphore(%arg10 : memref<!tpu.dma_semaphore, #tpu.memory_space<semaphore_mem>>)
      %dma_wait3A = arith.constant 0 : i32
      %dma_wait3A_32 = arith.constant 0 : i32
      %dma_wait3A_33 = tpu.memref_slice %arg2[%dma_wait3A, %dma_wait3A_32] : memref<10000x128xf32, #tpu.memory_space<hbm>> -> memref<10000x128xf32, #tpu.memory_space<hbm>>
      tpu.wait_indirect_dma semaphore(%arg10 : memref<!tpu.dma_semaphore, #tpu.memory_space<semaphore_mem>>) src(%dma_wait3A_33 : memref<10000x128xf32, #tpu.memory_space<hbm>>) dst(%arg8 : memref<128x128xf32, #tpu.memory_space<vmem>>)
      "tpu.region"() ({
        %run_scoped3A = tpu.sem_alloc : memref<!tpu.dma_semaphore, #tpu.memory_space<semaphore_mem>>
        %dma_start3A_34 = arith.constant 0 : i32
        %dma_start3A_35 = arith.constant 0 : i32
        %dma_start3A_36 = tpu.memref_slice %arg9[%dma_start3A_34, %dma_start3A_35] : memref<10240x128xf32, #tpu.memory_space<vmem_shared>> -> memref<10240x128xf32, #tpu.memory_space<vmem_shared>>
        tpu.enqueue_indirect_dma source(%arg8 : memref<128x128xf32, #tpu.memory_space<vmem>>) target(%dma_start3A_36 : memref<10240x128xf32, #tpu.memory_space<vmem_shared>>) offsets(%arg7 : memref<128xi32, #tpu.memory_space<vmem>>) semaphore(%run_scoped3A : memref<!tpu.dma_semaphore, #tpu.memory_space<semaphore_mem>>) {add = true}
        %dma_wait3A_37 = arith.constant 0 : i32
        %dma_wait3A_38 = arith.constant 0 : i32
        %dma_wait3A_39 = tpu.memref_slice %arg9[%dma_wait3A_37, %dma_wait3A_38] : memref<10240x128xf32, #tpu.memory_space<vmem_shared>> -> memref<10240x128xf32, #tpu.memory_space<vmem_shared>>
        tpu.wait_indirect_dma semaphore(%run_scoped3A : memref<!tpu.dma_semaphore, #tpu.memory_space<semaphore_mem>>) src(%arg8 : memref<128x128xf32, #tpu.memory_space<vmem>>) dst(%dma_wait3A_39 : memref<10240x128xf32, #tpu.memory_space<vmem_shared>>)
        tpu.yield
      }) : () -> ()
    }
    %scan3A_20 = arith.constant 80 : i32
    %barrier3A_21 = arith.constant 0 : index
    tpu.barrier barrier_id(%barrier3A_21)
    %mul3A_22 = arith.constant 640 : i32
    %mul3A_23 = arith.muli %arg1, %mul3A_22 : i32
    %mul3A_24 = arith.constant 640 : i32
    %mul3A_25 = arith.muli %arg1, %mul3A_24 : i32
    "tpu.region"() ({
      %run_scoped3A = tpu.sem_alloc : memref<!tpu.dma_semaphore, #tpu.memory_space<semaphore_mem>>
      %dma_start3A = arith.constant 0 : i32
      %dma_start3A_26 = arith.constant 0 : i32
      %dma_start3A_27 = tpu.memref_slice %arg5[%arg0, %dma_start3A, %dma_start3A_26] : memref<2x10240x128xf32, #tpu.memory_space<hbm>> -> memref<1x10240x128xf32, #tpu.memory_space<hbm>>
      %dma_start3A_28 = tpu.memref_squeeze %dma_start3A_27 : memref<1x10240x128xf32, #tpu.memory_space<hbm>> -> memref<10240x128xf32, #tpu.memory_space<hbm>>
      %dma_start3A_29 = arith.constant 0 : i32
      %dma_start3A_30 = tpu.memref_slice %dma_start3A_28[%mul3A_25, %dma_start3A_29] : memref<10240x128xf32, #tpu.memory_space<hbm>> -> memref<640x128xf32, #tpu.memory_space<hbm>>
      %dma_start3A_31 = arith.constant 0 : i32
      %dma_start3A_32 = tpu.memref_slice %arg9[%mul3A_23, %dma_start3A_31] : memref<10240x128xf32, #tpu.memory_space<vmem_shared>> -> memref<640x128xf32, #tpu.memory_space<vmem_shared>>
      tpu.enqueue_dma source(%dma_start3A_32 : memref<640x128xf32, #tpu.memory_space<vmem_shared>>) target(%dma_start3A_30 : memref<640x128xf32, #tpu.memory_space<hbm>>) target_semaphore(%run_scoped3A : memref<!tpu.dma_semaphore, #tpu.memory_space<semaphore_mem>>)
      %dma_wait3A = arith.constant 0 : i32
      %dma_wait3A_33 = arith.constant 0 : i32
      %dma_wait3A_34 = tpu.memref_slice %arg5[%arg0, %dma_wait3A, %dma_wait3A_33] : memref<2x10240x128xf32, #tpu.memory_space<hbm>> -> memref<1x10240x128xf32, #tpu.memory_space<hbm>>
      %dma_wait3A_35 = tpu.memref_squeeze %dma_wait3A_34 : memref<1x10240x128xf32, #tpu.memory_space<hbm>> -> memref<10240x128xf32, #tpu.memory_space<hbm>>
      %dma_wait3A_36 = arith.constant 0 : i32
      %dma_wait3A_37 = tpu.memref_slice %dma_wait3A_35[%mul3A_25, %dma_wait3A_36] : memref<10240x128xf32, #tpu.memory_space<hbm>> -> memref<640x128xf32, #tpu.memory_space<hbm>>
      %dma_wait3A_38 = arith.constant 0 : i32
      %dma_wait3A_39 = tpu.memref_slice %arg9[%mul3A_23, %dma_wait3A_38] : memref<10240x128xf32, #tpu.memory_space<vmem_shared>> -> memref<640x128xf32, #tpu.memory_space<vmem_shared>>
      tpu.wait_dma2 semaphore(%run_scoped3A : memref<!tpu.dma_semaphore, #tpu.memory_space<semaphore_mem>>) src(%dma_wait3A_39 : memref<640x128xf32, #tpu.memory_space<vmem_shared>>) dst(%dma_wait3A_37 : memref<640x128xf32, #tpu.memory_space<hbm>>)
      tpu.yield
    }) : () -> ()
    return
  }
}

#map = affine_map<(d0, d1) -> (0, 0)>
#map1 = affine_map<(d0, d1) -> (0)>
#map2 = affine_map<(d0, d1) -> (0, 0, 0)>
module attributes {stable_mosaic.version = 14 : i64} {
  func.func @spmm_kernel(%arg0: i32, %arg1: i32, %arg2: memref<10000x128xf32, #tpu.memory_space<hbm>>, %arg3: memref<327680xi32, #tpu.memory_space<hbm>>, %arg4: memref<327680xi32, #tpu.memory_space<hbm>>, %arg5: memref<2x10240x128xf32, #tpu.memory_space<hbm>>, %arg6: memref<128xi32, #tpu.memory_space<vmem>>, %arg7: memref<128xi32, #tpu.memory_space<vmem>>, %arg8: memref<128x128xf32, #tpu.memory_space<vmem>>, %arg9: memref<10240x128xf32, #tpu.memory_space<vmem_shared>>, %arg10: memref<!tpu.dma_semaphore, #tpu.memory_space<semaphore_mem>>) attributes {dimension_semantics = [#tpu.dimension_semantics<core_parallel>, #tpu.dimension_semantics<subcore_parallel>], iteration_bounds = array<i64: 2, 16>, scalar_prefetch = 0 : i64, scratch_operands = 5 : i64, tpu.core_type = #tpu.core_type<sc_vector_subcore>, window_params = [{transform_indices = #map}, {transform_indices = #map1}, {transform_indices = #map1}, {transform_indices = #map2}]} {
    %mul3A = arith.constant 16 : i32
    %mul3A_0 = arith.muli %arg0, %mul3A : i32
    %add3A = arith.addi %mul3A_0, %arg1 : i32
    %mul3A_1 = arith.constant 10240 : i32
    %mul3A_2 = arith.muli %add3A, %mul3A_1 : i32
    %broadcast_in_dim3A = arith.constant 0.000000e+00 : f32
    %broadcast_in_dim3A_3 = vector.broadcast %broadcast_in_dim3A : f32 to vector<16xf32>
    %scan3A = arith.constant 0 : i32
    %scan3A_4 = arith.constant 0 : i32
    %scan3A_5 = arith.constant 1024 : i32
    %scan3A_6 = arith.addi %scan3A_4, %scan3A_5 : i32
    %scan3A_7 = arith.constant 1 : i32
    scf.for %scan3A_26 = %scan3A_4 to %scan3A_6 step %scan3A_7  : i32 {
      %jit3A = arith.constant 8 : i32
      %div3A = arith.divsi %scan3A_26, %jit3A : i32
      %sign3A = arith.constant 0 : i32
      %sign3A_27 = arith.cmpi sgt, %scan3A_26, %sign3A : i32
      %sign3A_28 = arith.extui %sign3A_27 : i1 to i32
      %sign3A_29 = arith.constant 0 : i32
      %sign3A_30 = arith.cmpi slt, %scan3A_26, %sign3A_29 : i32
      %sign3A_31 = arith.extui %sign3A_30 : i1 to i32
      %sign3A_32 = arith.subi %sign3A_28, %sign3A_31 : i32
      %sign3A_33 = arith.constant 0 : i32
      %sign3A_34 = arith.cmpi sgt, %jit3A, %sign3A_33 : i32
      %sign3A_35 = arith.extui %sign3A_34 : i1 to i32
      %sign3A_36 = arith.constant 0 : i32
      %sign3A_37 = arith.cmpi slt, %jit3A, %sign3A_36 : i32
      %sign3A_38 = arith.extui %sign3A_37 : i1 to i32
      %sign3A_39 = arith.subi %sign3A_35, %sign3A_38 : i32
      %ne3A = arith.cmpi ne, %sign3A_32, %sign3A_39 : i32
      %rem3A = arith.remsi %scan3A_26, %jit3A : i32
      %ne3A_40 = arith.constant 0 : i32
      %ne3A_41 = arith.cmpi ne, %rem3A, %ne3A_40 : i32
      %and3A = arith.andi %ne3A, %ne3A_41 : i1
      %sub3A = arith.constant 1 : i32
      %sub3A_42 = arith.subi %div3A, %sub3A : i32
      %select_n3A = arith.select %and3A, %sub3A_42, %div3A : i32
      %jit3A_43 = arith.constant 8 : i32
      %eq3A = arith.constant 0 : i32
      %eq3A_44 = arith.cmpi eq, %jit3A_43, %eq3A : i32
      %jit3A_45 = arith.constant 1 : i32
      %select_n3A_46 = arith.select %eq3A_44, %jit3A_45, %jit3A_43 : i32
      %rem3A_47 = arith.remsi %scan3A_26, %select_n3A_46 : i32
      %ne3A_48 = arith.constant 0 : i32
      %ne3A_49 = arith.cmpi ne, %rem3A_47, %ne3A_48 : i32
      %lt3A = arith.constant 0 : i32
      %lt3A_50 = arith.cmpi slt, %rem3A_47, %lt3A : i32
      %lt3A_51 = arith.constant 0 : i32
      %lt3A_52 = arith.cmpi slt, %select_n3A_46, %lt3A_51 : i32
      %ne3A_53 = arith.xori %lt3A_50, %lt3A_52 : i1
      %and3A_54 = arith.andi %ne3A_53, %ne3A_49 : i1
      %add3A_55 = arith.addi %rem3A_47, %select_n3A_46 : i32
      %select_n3A_56 = arith.select %and3A_54, %add3A_55, %rem3A_47 : i32
      %mul3A_57 = arith.constant 16 : i32
      %mul3A_58 = arith.muli %select_n3A_56, %mul3A_57 : i32
      %swap3A = arith.index_cast %select_n3A : i32 to index
      %swap3A_59 = arith.index_cast %mul3A_58 : i32 to index
      %swap3A_60 = tpu.vector_load %arg8[%swap3A, %swap3A_59] {strides = array<i32>} : memref<128x128xf32, #tpu.memory_space<vmem>>, vector<1x16xf32>,
      %swap3A_61 = vector.shape_cast %swap3A_60 : vector<1x16xf32> to vector<16xf32>
      %swap3A_62 = vector.shape_cast %broadcast_in_dim3A_3 : vector<16xf32> to vector<1x16xf32>
      tpu.vector_store %arg8[%swap3A, %swap3A_59], %swap3A_62 {strides = array<i32>} : memref<128x128xf32, #tpu.memory_space<vmem>>, vector<1x16xf32>,
    }
    %scan3A_8 = arith.constant 1024 : i32
    %scan3A_9 = arith.constant 0 : i32
    %scan3A_10 = arith.constant 0 : i32
    %scan3A_11 = arith.constant 5 : i32
    %scan3A_12 = arith.addi %scan3A_10, %scan3A_11 : i32
    %scan3A_13 = arith.constant 1 : i32
    scf.for %scan3A_26 = %scan3A_10 to %scan3A_12 step %scan3A_13  : i32 {
      %mul3A_27 = arith.constant 640 : i32
      %mul3A_28 = arith.muli %arg1, %mul3A_27 : i32
      %mul3A_29 = arith.constant 128 : i32
      %mul3A_30 = arith.muli %scan3A_26, %mul3A_29 : i32
      %add3A_31 = arith.addi %mul3A_28, %mul3A_30 : i32
      "tpu.region"() ({
        %run_scoped3A = tpu.sem_alloc : memref<!tpu.dma_semaphore, #tpu.memory_space<semaphore_mem>>
        %dma_start3A = arith.constant 0 : i32
        %dma_start3A_32 = tpu.memref_slice %arg9[%add3A_31, %dma_start3A] : memref<10240x128xf32, #tpu.memory_space<vmem_shared>> -> memref<128x128xf32, #tpu.memory_space<vmem_shared>>
        %dma_start3A_33 = arith.constant 0 : i32
        %dma_start3A_34 = tpu.memref_slice %arg9[%add3A_31, %dma_start3A_33] : memref<10240x128xf32, #tpu.memory_space<vmem_shared>> -> memref<128x128xf32, #tpu.memory_space<vmem_shared>>
        tpu.enqueue_dma source(%arg8 : memref<128x128xf32, #tpu.memory_space<vmem>>) target(%dma_start3A_34 : memref<128x128xf32, #tpu.memory_space<vmem_shared>>) target_semaphore(%run_scoped3A : memref<!tpu.dma_semaphore, #tpu.memory_space<semaphore_mem>>)
        %dma_wait3A = arith.constant 0 : i32
        %dma_wait3A_35 = tpu.memref_slice %arg9[%add3A_31, %dma_wait3A] : memref<10240x128xf32, #tpu.memory_space<vmem_shared>> -> memref<128x128xf32, #tpu.memory_space<vmem_shared>>
        %dma_wait3A_36 = arith.constant 0 : i32
        %dma_wait3A_37 = tpu.memref_slice %arg9[%add3A_31, %dma_wait3A_36] : memref<10240x128xf32, #tpu.memory_space<vmem_shared>> -> memref<128x128xf32, #tpu.memory_space<vmem_shared>>
        tpu.wait_dma2 semaphore(%run_scoped3A : memref<!tpu.dma_semaphore, #tpu.memory_space<semaphore_mem>>) src(%arg8 : memref<128x128xf32, #tpu.memory_space<vmem>>) dst(%dma_wait3A_37 : memref<128x128xf32, #tpu.memory_space<vmem_shared>>)
        tpu.yield
      }) : () -> ()
    }
    %scan3A_14 = arith.constant 5 : i32
    %barrier3A = arith.constant 0 : index
    tpu.barrier barrier_id(%barrier3A)
    %scan3A_15 = arith.constant 0 : i32
    %scan3A_16 = arith.constant 0 : i32
    %scan3A_17 = arith.constant 80 : i32
    %scan3A_18 = arith.addi %scan3A_16, %scan3A_17 : i32
    %scan3A_19 = arith.constant 1 : i32
    scf.for %scan3A_26 = %scan3A_16 to %scan3A_18 step %scan3A_19  : i32 {
      %mul3A_27 = arith.constant 128 : i32
      %mul3A_28 = arith.muli %scan3A_26, %mul3A_27 : i32
      %add3A_29 = arith.addi %mul3A_2, %mul3A_28 : i32
      "tpu.region"() ({
        %run_scoped3A = tpu.sem_alloc : memref<!tpu.dma_semaphore, #tpu.memory_space<semaphore_mem>>
        %dma_start3A_34 = tpu.memref_slice %arg3[%add3A_29] : memref<327680xi32, #tpu.memory_space<hbm>> -> memref<128xi32, #tpu.memory_space<hbm>>
        %dma_start3A_35 = tpu.memref_slice %arg3[%add3A_29] : memref<327680xi32, #tpu.memory_space<hbm>> -> memref<128xi32, #tpu.memory_space<hbm>>
        tpu.enqueue_dma source(%dma_start3A_35 : memref<128xi32, #tpu.memory_space<hbm>>) target(%arg6 : memref<128xi32, #tpu.memory_space<vmem>>) target_semaphore(%run_scoped3A : memref<!tpu.dma_semaphore, #tpu.memory_space<semaphore_mem>>)
        %dma_wait3A_36 = tpu.memref_slice %arg3[%add3A_29] : memref<327680xi32, #tpu.memory_space<hbm>> -> memref<128xi32, #tpu.memory_space<hbm>>
        %dma_wait3A_37 = tpu.memref_slice %arg3[%add3A_29] : memref<327680xi32, #tpu.memory_space<hbm>> -> memref<128xi32, #tpu.memory_space<hbm>>
        tpu.wait_dma2 semaphore(%run_scoped3A : memref<!tpu.dma_semaphore, #tpu.memory_space<semaphore_mem>>) src(%dma_wait3A_37 : memref<128xi32, #tpu.memory_space<hbm>>) dst(%arg6 : memref<128xi32, #tpu.memory_space<vmem>>)
        tpu.yield
      }) : () -> ()
      "tpu.region"() ({
        %run_scoped3A = tpu.sem_alloc : memref<!tpu.dma_semaphore, #tpu.memory_space<semaphore_mem>>
        %dma_start3A_34 = tpu.memref_slice %arg4[%add3A_29] : memref<327680xi32, #tpu.memory_space<hbm>> -> memref<128xi32, #tpu.memory_space<hbm>>
        %dma_start3A_35 = tpu.memref_slice %arg4[%add3A_29] : memref<327680xi32, #tpu.memory_space<hbm>> -> memref<128xi32, #tpu.memory_space<hbm>>
        tpu.enqueue_dma source(%dma_start3A_35 : memref<128xi32, #tpu.memory_space<hbm>>) target(%arg7 : memref<128xi32, #tpu.memory_space<vmem>>) target_semaphore(%run_scoped3A : memref<!tpu.dma_semaphore, #tpu.memory_space<semaphore_mem>>)
        %dma_wait3A_36 = tpu.memref_slice %arg4[%add3A_29] : memref<327680xi32, #tpu.memory_space<hbm>> -> memref<128xi32, #tpu.memory_space<hbm>>
        %dma_wait3A_37 = tpu.memref_slice %arg4[%add3A_29] : memref<327680xi32, #tpu.memory_space<hbm>> -> memref<128xi32, #tpu.memory_space<hbm>>
        tpu.wait_dma2 semaphore(%run_scoped3A : memref<!tpu.dma_semaphore, #tpu.memory_space<semaphore_mem>>) src(%dma_wait3A_37 : memref<128xi32, #tpu.memory_space<hbm>>) dst(%arg7 : memref<128xi32, #tpu.memory_space<vmem>>)
        tpu.yield
      }) : () -> ()
      %dma_start3A = arith.constant 0 : i32
      %dma_start3A_30 = arith.constant 0 : i32
      %dma_start3A_31 = tpu.memref_slice %arg2[%dma_start3A, %dma_start3A_30] : memref<10000x128xf32, #tpu.memory_space<hbm>> -> memref<10000x128xf32, #tpu.memory_space<hbm>>
      tpu.enqueue_indirect_dma source(%dma_start3A_31 : memref<10000x128xf32, #tpu.memory_space<hbm>>) target(%arg8 : memref<128x128xf32, #tpu.memory_space<vmem>>) offsets(%arg6 : memref<128xi32, #tpu.memory_space<vmem>>) semaphore(%arg10 : memref<!tpu.dma_semaphore, #tpu.memory_space<semaphore_mem>>)
      %dma_wait3A = arith.constant 0 : i32
      %dma_wait3A_32 = arith.constant 0 : i32
      %dma_wait3A_33 = tpu.memref_slice %arg2[%dma_wait3A, %dma_wait3A_32] : memref<10000x128xf32, #tpu.memory_space<hbm>> -> memref<10000x128xf32, #tpu.memory_space<hbm>>
      tpu.wait_indirect_dma semaphore(%arg10 : memref<!tpu.dma_semaphore, #tpu.memory_space<semaphore_mem>>) src(%dma_wait3A_33 : memref<10000x128xf32, #tpu.memory_space<hbm>>) dst(%arg8 : memref<128x128xf32, #tpu.memory_space<vmem>>)
      "tpu.region"() ({
        %run_scoped3A = tpu.sem_alloc : memref<!tpu.dma_semaphore, #tpu.memory_space<semaphore_mem>>
        %dma_start3A_34 = arith.constant 0 : i32
        %dma_start3A_35 = arith.constant 0 : i32
        %dma_start3A_36 = tpu.memref_slice %arg9[%dma_start3A_34, %dma_start3A_35] : memref<10240x128xf32, #tpu.memory_space<vmem_shared>> -> memref<10240x128xf32, #tpu.memory_space<vmem_shared>>
        tpu.enqueue_indirect_dma source(%arg8 : memref<128x128xf32, #tpu.memory_space<vmem>>) target(%dma_start3A_36 : memref<10240x128xf32, #tpu.memory_space<vmem_shared>>) offsets(%arg7 : memref<128xi32, #tpu.memory_space<vmem>>) semaphore(%run_scoped3A : memref<!tpu.dma_semaphore, #tpu.memory_space<semaphore_mem>>) {add = true}
        %dma_wait3A_37 = arith.constant 0 : i32
        %dma_wait3A_38 = arith.constant 0 : i32
        %dma_wait3A_39 = tpu.memref_slice %arg9[%dma_wait3A_37, %dma_wait3A_38] : memref<10240x128xf32, #tpu.memory_space<vmem_shared>> -> memref<10240x128xf32, #tpu.memory_space<vmem_shared>>
        tpu.wait_indirect_dma semaphore(%run_scoped3A : memref<!tpu.dma_semaphore, #tpu.memory_space<semaphore_mem>>) src(%arg8 : memref<128x128xf32, #tpu.memory_space<vmem>>) dst(%dma_wait3A_39 : memref<10240x128xf32, #tpu.memory_space<vmem_shared>>)
        tpu.yield
      }) : () -> ()
    }
    %scan3A_20 = arith.constant 80 : i32
    %barrier3A_21 = arith.constant 0 : index
    tpu.barrier barrier_id(%barrier3A_21)
    %mul3A_22 = arith.constant 640 : i32
    %mul3A_23 = arith.muli %arg1, %mul3A_22 : i32
    %mul3A_24 = arith.constant 640 : i32
    %mul3A_25 = arith.muli %arg1, %mul3A_24 : i32
    "tpu.region"() ({
      %run_scoped3A = tpu.sem_alloc : memref<!tpu.dma_semaphore, #tpu.memory_space<semaphore_mem>>
      %dma_start3A = arith.constant 0 : i32
      %dma_start3A_26 = arith.constant 0 : i32
      %dma_start3A_27 = tpu.memref_slice %arg5[%arg0, %dma_start3A, %dma_start3A_26] : memref<2x10240x128xf32, #tpu.memory_space<hbm>> -> memref<1x10240x128xf32, #tpu.memory_space<hbm>>
      %dma_start3A_28 = tpu.memref_squeeze %dma_start3A_27 : memref<1x10240x128xf32, #tpu.memory_space<hbm>> -> memref<10240x128xf32, #tpu.memory_space<hbm>>
      %dma_start3A_29 = arith.constant 0 : i32
      %dma_start3A_30 = tpu.memref_slice %dma_start3A_28[%mul3A_25, %dma_start3A_29] : memref<10240x128xf32, #tpu.memory_space<hbm>> -> memref<640x128xf32, #tpu.memory_space<hbm>>
      %dma_start3A_31 = arith.constant 0 : i32
      %dma_start3A_32 = tpu.memref_slice %arg9[%mul3A_23, %dma_start3A_31] : memref<10240x128xf32, #tpu.memory_space<vmem_shared>> -> memref<640x128xf32, #tpu.memory_space<vmem_shared>>
      tpu.enqueue_dma source(%dma_start3A_32 : memref<640x128xf32, #tpu.memory_space<vmem_shared>>) target(%dma_start3A_30 : memref<640x128xf32, #tpu.memory_space<hbm>>) target_semaphore(%run_scoped3A : memref<!tpu.dma_semaphore, #tpu.memory_space<semaphore_mem>>)
      %dma_wait3A = arith.constant 0 : i32
      %dma_wait3A_33 = arith.constant 0 : i32
      %dma_wait3A_34 = tpu.memref_slice %arg5[%arg0, %dma_wait3A, %dma_wait3A_33] : memref<2x10240x128xf32, #tpu.memory_space<hbm>> -> memref<1x10240x128xf32, #tpu.memory_space<hbm>>
      %dma_wait3A_35 = tpu.memref_squeeze %dma_wait3A_34 : memref<1x10240x128xf32, #tpu.memory_space<hbm>> -> memref<10240x128xf32, #tpu.memory_space<hbm>>
      %dma_wait3A_36 = arith.constant 0 : i32
      %dma_wait3A_37 = tpu.memref_slice %dma_wait3A_35[%mul3A_25, %dma_wait3A_36] : memref<10240x128xf32, #tpu.memory_space<hbm>> -> memref<640x128xf32, #tpu.memory_space<hbm>>
      %dma_wait3A_38 = arith.constant 0 : i32
      %dma_wait3A_39 = tpu.memref_slice %arg9[%mul3A_23, %dma_wait3A_38] : memref<10240x128xf32, #tpu.memory_space<vmem_shared>> -> memref<640x128xf32, #tpu.memory_space<vmem_shared>>
      tpu.wait_dma2 semaphore(%run_scoped3A : memref<!tpu.dma_semaphore, #tpu.memory_space<semaphore_mem>>) src(%dma_wait3A_39 : memref<640x128xf32, #tpu.memory_space<vmem_shared>>) dst(%dma_wait3A_37 : memref<640x128xf32, #tpu.memory_space<hbm>>)
      tpu.yield
    }) : () -> ()
    return
  }
}

#map = affine_map<(d0, d1) -> (0)>
#map1 = affine_map<(d0, d1) -> (0, 0, 0)>
module attributes {stable_mosaic.version = 14 : i64} {
  func.func @deg_kernel(%arg0: i32, %arg1: i32, %arg2: memref<327680xi32, #tpu.memory_space<hbm>>, %arg3: memref<2x10240x16xf32, #tpu.memory_space<hbm>>, %arg4: memref<128xi32, #tpu.memory_space<vmem>>, %arg5: memref<128xi32, #tpu.memory_space<vmem>>, %arg6: memref<128x16xf32, #tpu.memory_space<vmem>>, %arg7: memref<128x16xf32, #tpu.memory_space<vmem>>, %arg8: memref<10240x16xf32, #tpu.memory_space<vmem_shared>>) attributes {dimension_semantics = [#tpu.dimension_semantics<core_parallel>, #tpu.dimension_semantics<subcore_parallel>], iteration_bounds = array<i64: 2, 16>, scalar_prefetch = 0 : i64, scratch_operands = 5 : i64, tpu.core_type = #tpu.core_type<sc_vector_subcore>, window_params = [{transform_indices = #map}, {transform_indices = #map1}]} {
    %mul3A = arith.constant 16 : i32
    %mul3A_0 = arith.muli %arg0, %mul3A : i32
    %add3A = arith.addi %mul3A_0, %arg1 : i32
    %iota3A = tpu.iota {dimensions = array<i32: 0>} : vector<16xi32>
    %eq3A = arith.constant 0 : i32
    %eq3A_1 = vector.broadcast %eq3A : i32 to vector<16xi32>
    %eq3A_2 = arith.cmpi eq, %iota3A, %eq3A_1 : vector<16xi32>
    %jit3A = arith.constant 1.000000e+00 : f32
    %jit3A_3 = arith.constant 0.000000e+00 : f32
    %broadcast_in_dim3A = vector.broadcast %jit3A : f32 to vector<16xf32>
    %broadcast_in_dim3A_4 = vector.broadcast %jit3A_3 : f32 to vector<16xf32>
    %select_n3A = arith.select %eq3A_2, %broadcast_in_dim3A, %broadcast_in_dim3A_4 : vector<16xi1>, vector<16xf32>
    %broadcast_in_dim3A_5 = arith.constant 0.000000e+00 : f32
    %broadcast_in_dim3A_6 = vector.broadcast %broadcast_in_dim3A_5 : f32 to vector<16xf32>
    %scan3A = arith.constant 0 : i32
    %scan3A_7 = arith.constant 0 : i32
    %scan3A_8 = arith.constant 128 : i32
    %scan3A_9 = arith.addi %scan3A_7, %scan3A_8 : i32
    %scan3A_10 = arith.constant 1 : i32
    scf.for %scan3A_31 = %scan3A_7 to %scan3A_9 step %scan3A_10  : i32 {
      %swap3A = arith.index_cast %scan3A_31 : i32 to index
      %swap3A_32 = arith.constant 0 : index
      %swap3A_33 = tpu.vector_load %arg6[%swap3A, %swap3A_32] {strides = array<i32>} : memref<128x16xf32, #tpu.memory_space<vmem>>, vector<1x16xf32>,
      %swap3A_34 = vector.shape_cast %swap3A_33 : vector<1x16xf32> to vector<16xf32>
      %swap3A_35 = vector.shape_cast %select_n3A : vector<16xf32> to vector<1x16xf32>
      tpu.vector_store %arg6[%swap3A, %swap3A_32], %swap3A_35 {strides = array<i32>} : memref<128x16xf32, #tpu.memory_space<vmem>>, vector<1x16xf32>,
      %swap3A_36 = arith.index_cast %scan3A_31 : i32 to index
      %swap3A_37 = arith.constant 0 : index
      %swap3A_38 = tpu.vector_load %arg7[%swap3A_36, %swap3A_37] {strides = array<i32>} : memref<128x16xf32, #tpu.memory_space<vmem>>, vector<1x16xf32>,
      %swap3A_39 = vector.shape_cast %swap3A_38 : vector<1x16xf32> to vector<16xf32>
      %swap3A_40 = vector.shape_cast %broadcast_in_dim3A_6 : vector<16xf32> to vector<1x16xf32>
      tpu.vector_store %arg7[%swap3A_36, %swap3A_37], %swap3A_40 {strides = array<i32>} : memref<128x16xf32, #tpu.memory_space<vmem>>, vector<1x16xf32>,
    }
    %scan3A_11 = arith.constant 128 : i32
    %scan3A_12 = arith.constant 0 : i32
    %scan3A_13 = arith.constant 0 : i32
    %scan3A_14 = arith.constant 5 : i32
    %scan3A_15 = arith.addi %scan3A_13, %scan3A_14 : i32
    %scan3A_16 = arith.constant 1 : i32
    scf.for %scan3A_31 = %scan3A_13 to %scan3A_15 step %scan3A_16  : i32 {
      %mul3A_32 = arith.constant 640 : i32
      %mul3A_33 = arith.muli %arg1, %mul3A_32 : i32
      %mul3A_34 = arith.constant 128 : i32
      %mul3A_35 = arith.muli %scan3A_31, %mul3A_34 : i32
      %add3A_36 = arith.addi %mul3A_33, %mul3A_35 : i32
      "tpu.region"() ({
        %run_scoped3A = tpu.sem_alloc : memref<!tpu.dma_semaphore, #tpu.memory_space<semaphore_mem>>
        %dma_start3A = arith.constant 0 : i32
        %dma_start3A_37 = tpu.memref_slice %arg8[%add3A_36, %dma_start3A] : memref<10240x16xf32, #tpu.memory_space<vmem_shared>> -> memref<128x16xf32, #tpu.memory_space<vmem_shared>>
        %dma_start3A_38 = arith.constant 0 : i32
        %dma_start3A_39 = tpu.memref_slice %arg8[%add3A_36, %dma_start3A_38] : memref<10240x16xf32, #tpu.memory_space<vmem_shared>> -> memref<128x16xf32, #tpu.memory_space<vmem_shared>>
        tpu.enqueue_dma source(%arg7 : memref<128x16xf32, #tpu.memory_space<vmem>>) target(%dma_start3A_39 : memref<128x16xf32, #tpu.memory_space<vmem_shared>>) target_semaphore(%run_scoped3A : memref<!tpu.dma_semaphore, #tpu.memory_space<semaphore_mem>>)
        %dma_wait3A = arith.constant 0 : i32
        %dma_wait3A_40 = tpu.memref_slice %arg8[%add3A_36, %dma_wait3A] : memref<10240x16xf32, #tpu.memory_space<vmem_shared>> -> memref<128x16xf32, #tpu.memory_space<vmem_shared>>
        %dma_wait3A_41 = arith.constant 0 : i32
        %dma_wait3A_42 = tpu.memref_slice %arg8[%add3A_36, %dma_wait3A_41] : memref<10240x16xf32, #tpu.memory_space<vmem_shared>> -> memref<128x16xf32, #tpu.memory_space<vmem_shared>>
        tpu.wait_dma2 semaphore(%run_scoped3A : memref<!tpu.dma_semaphore, #tpu.memory_space<semaphore_mem>>) src(%arg7 : memref<128x16xf32, #tpu.memory_space<vmem>>) dst(%dma_wait3A_42 : memref<128x16xf32, #tpu.memory_space<vmem_shared>>)
        tpu.yield
      }) : () -> ()
    }
    %scan3A_17 = arith.constant 5 : i32
    %barrier3A = arith.constant 0 : index
    tpu.barrier barrier_id(%barrier3A)
    %mul3A_18 = arith.constant 10240 : i32
    %mul3A_19 = arith.muli %add3A, %mul3A_18 : i32
    %scan3A_20 = arith.constant 0 : i32
    %scan3A_21 = arith.constant 0 : i32
    %scan3A_22 = arith.constant 40 : i32
    %scan3A_23 = arith.addi %scan3A_21, %scan3A_22 : i32
    %scan3A_24 = arith.constant 1 : i32
    scf.for %scan3A_31 = %scan3A_21 to %scan3A_23 step %scan3A_24  : i32 {
      %mul3A_32 = arith.constant 2 : i32
      %mul3A_33 = arith.muli %mul3A_32, %scan3A_31 : i32
      %mul3A_34 = arith.constant 128 : i32
      %mul3A_35 = arith.muli %mul3A_33, %mul3A_34 : i32
      %add3A_36 = arith.addi %mul3A_19, %mul3A_35 : i32
      "tpu.region"() ({
        %run_scoped3A = tpu.sem_alloc : memref<!tpu.dma_semaphore, #tpu.memory_space<semaphore_mem>>
        %dma_start3A = tpu.memref_slice %arg2[%add3A_36] : memref<327680xi32, #tpu.memory_space<hbm>> -> memref<128xi32, #tpu.memory_space<hbm>>
        %dma_start3A_44 = tpu.memref_slice %arg2[%add3A_36] : memref<327680xi32, #tpu.memory_space<hbm>> -> memref<128xi32, #tpu.memory_space<hbm>>
        tpu.enqueue_dma source(%dma_start3A_44 : memref<128xi32, #tpu.memory_space<hbm>>) target(%arg4 : memref<128xi32, #tpu.memory_space<vmem>>) target_semaphore(%run_scoped3A : memref<!tpu.dma_semaphore, #tpu.memory_space<semaphore_mem>>)
        %dma_wait3A = tpu.memref_slice %arg2[%add3A_36] : memref<327680xi32, #tpu.memory_space<hbm>> -> memref<128xi32, #tpu.memory_space<hbm>>
        %dma_wait3A_45 = tpu.memref_slice %arg2[%add3A_36] : memref<327680xi32, #tpu.memory_space<hbm>> -> memref<128xi32, #tpu.memory_space<hbm>>
        tpu.wait_dma2 semaphore(%run_scoped3A : memref<!tpu.dma_semaphore, #tpu.memory_space<semaphore_mem>>) src(%dma_wait3A_45 : memref<128xi32, #tpu.memory_space<hbm>>) dst(%arg4 : memref<128xi32, #tpu.memory_space<vmem>>)
        tpu.yield
      }) : () -> ()
      "tpu.region"() ({
        %run_scoped3A = tpu.sem_alloc : memref<!tpu.dma_semaphore, #tpu.memory_space<semaphore_mem>>
        %dma_start3A = arith.constant 0 : i32
        %dma_start3A_44 = arith.constant 0 : i32
        %dma_start3A_45 = tpu.memref_slice %arg8[%dma_start3A, %dma_start3A_44] : memref<10240x16xf32, #tpu.memory_space<vmem_shared>> -> memref<10240x16xf32, #tpu.memory_space<vmem_shared>>
        tpu.enqueue_indirect_dma source(%arg6 : memref<128x16xf32, #tpu.memory_space<vmem>>) target(%dma_start3A_45 : memref<10240x16xf32, #tpu.memory_space<vmem_shared>>) offsets(%arg4 : memref<128xi32, #tpu.memory_space<vmem>>) semaphore(%run_scoped3A : memref<!tpu.dma_semaphore, #tpu.memory_space<semaphore_mem>>) {add = true}
        %dma_wait3A = arith.constant 0 : i32
        %dma_wait3A_46 = arith.constant 0 : i32
        %dma_wait3A_47 = tpu.memref_slice %arg8[%dma_wait3A, %dma_wait3A_46] : memref<10240x16xf32, #tpu.memory_space<vmem_shared>> -> memref<10240x16xf32, #tpu.memory_space<vmem_shared>>
        tpu.wait_indirect_dma semaphore(%run_scoped3A : memref<!tpu.dma_semaphore, #tpu.memory_space<semaphore_mem>>) src(%arg6 : memref<128x16xf32, #tpu.memory_space<vmem>>) dst(%dma_wait3A_47 : memref<10240x16xf32, #tpu.memory_space<vmem_shared>>)
        tpu.yield
      }) : () -> ()
      %mul3A_37 = arith.constant 2 : i32
      %mul3A_38 = arith.muli %mul3A_37, %scan3A_31 : i32
      %add3A_39 = arith.constant 1 : i32
      %add3A_40 = arith.addi %mul3A_38, %add3A_39 : i32
      %mul3A_41 = arith.constant 128 : i32
      %mul3A_42 = arith.muli %add3A_40, %mul3A_41 : i32
      %add3A_43 = arith.addi %mul3A_19, %mul3A_42 : i32
      "tpu.region"() ({
        %run_scoped3A = tpu.sem_alloc : memref<!tpu.dma_semaphore, #tpu.memory_space<semaphore_mem>>
        %dma_start3A = tpu.memref_slice %arg2[%add3A_43] : memref<327680xi32, #tpu.memory_space<hbm>> -> memref<128xi32, #tpu.memory_space<hbm>>
        %dma_start3A_44 = tpu.memref_slice %arg2[%add3A_43] : memref<327680xi32, #tpu.memory_space<hbm>> -> memref<128xi32, #tpu.memory_space<hbm>>
        tpu.enqueue_dma source(%dma_start3A_44 : memref<128xi32, #tpu.memory_space<hbm>>) target(%arg5 : memref<128xi32, #tpu.memory_space<vmem>>) target_semaphore(%run_scoped3A : memref<!tpu.dma_semaphore, #tpu.memory_space<semaphore_mem>>)
        %dma_wait3A = tpu.memref_slice %arg2[%add3A_43] : memref<327680xi32, #tpu.memory_space<hbm>> -> memref<128xi32, #tpu.memory_space<hbm>>
        %dma_wait3A_45 = tpu.memref_slice %arg2[%add3A_43] : memref<327680xi32, #tpu.memory_space<hbm>> -> memref<128xi32, #tpu.memory_space<hbm>>
        tpu.wait_dma2 semaphore(%run_scoped3A : memref<!tpu.dma_semaphore, #tpu.memory_space<semaphore_mem>>) src(%dma_wait3A_45 : memref<128xi32, #tpu.memory_space<hbm>>) dst(%arg5 : memref<128xi32, #tpu.memory_space<vmem>>)
        tpu.yield
      }) : () -> ()
      "tpu.region"() ({
        %run_scoped3A = tpu.sem_alloc : memref<!tpu.dma_semaphore, #tpu.memory_space<semaphore_mem>>
        %dma_start3A = arith.constant 0 : i32
        %dma_start3A_44 = arith.constant 0 : i32
        %dma_start3A_45 = tpu.memref_slice %arg8[%dma_start3A, %dma_start3A_44] : memref<10240x16xf32, #tpu.memory_space<vmem_shared>> -> memref<10240x16xf32, #tpu.memory_space<vmem_shared>>
        tpu.enqueue_indirect_dma source(%arg6 : memref<128x16xf32, #tpu.memory_space<vmem>>) target(%dma_start3A_45 : memref<10240x16xf32, #tpu.memory_space<vmem_shared>>) offsets(%arg5 : memref<128xi32, #tpu.memory_space<vmem>>) semaphore(%run_scoped3A : memref<!tpu.dma_semaphore, #tpu.memory_space<semaphore_mem>>) {add = true}
        %dma_wait3A = arith.constant 0 : i32
        %dma_wait3A_46 = arith.constant 0 : i32
        %dma_wait3A_47 = tpu.memref_slice %arg8[%dma_wait3A, %dma_wait3A_46] : memref<10240x16xf32, #tpu.memory_space<vmem_shared>> -> memref<10240x16xf32, #tpu.memory_space<vmem_shared>>
        tpu.wait_indirect_dma semaphore(%run_scoped3A : memref<!tpu.dma_semaphore, #tpu.memory_space<semaphore_mem>>) src(%arg6 : memref<128x16xf32, #tpu.memory_space<vmem>>) dst(%dma_wait3A_47 : memref<10240x16xf32, #tpu.memory_space<vmem_shared>>)
        tpu.yield
      }) : () -> ()
    }
    %scan3A_25 = arith.constant 40 : i32
    %barrier3A_26 = arith.constant 0 : index
    tpu.barrier barrier_id(%barrier3A_26)
    %mul3A_27 = arith.constant 640 : i32
    %mul3A_28 = arith.muli %arg1, %mul3A_27 : i32
    %mul3A_29 = arith.constant 640 : i32
    %mul3A_30 = arith.muli %arg1, %mul3A_29 : i32
    "tpu.region"() ({
      %run_scoped3A = tpu.sem_alloc : memref<!tpu.dma_semaphore, #tpu.memory_space<semaphore_mem>>
      %dma_start3A = arith.constant 0 : i32
      %dma_start3A_31 = arith.constant 0 : i32
      %dma_start3A_32 = tpu.memref_slice %arg3[%arg0, %dma_start3A, %dma_start3A_31] : memref<2x10240x16xf32, #tpu.memory_space<hbm>> -> memref<1x10240x16xf32, #tpu.memory_space<hbm>>
      %dma_start3A_33 = tpu.memref_squeeze %dma_start3A_32 : memref<1x10240x16xf32, #tpu.memory_space<hbm>> -> memref<10240x16xf32, #tpu.memory_space<hbm>>
      %dma_start3A_34 = arith.constant 0 : i32
      %dma_start3A_35 = tpu.memref_slice %dma_start3A_33[%mul3A_30, %dma_start3A_34] : memref<10240x16xf32, #tpu.memory_space<hbm>> -> memref<640x16xf32, #tpu.memory_space<hbm>>
      %dma_start3A_36 = arith.constant 0 : i32
      %dma_start3A_37 = tpu.memref_slice %arg8[%mul3A_28, %dma_start3A_36] : memref<10240x16xf32, #tpu.memory_space<vmem_shared>> -> memref<640x16xf32, #tpu.memory_space<vmem_shared>>
      tpu.enqueue_dma source(%dma_start3A_37 : memref<640x16xf32, #tpu.memory_space<vmem_shared>>) target(%dma_start3A_35 : memref<640x16xf32, #tpu.memory_space<hbm>>) target_semaphore(%run_scoped3A : memref<!tpu.dma_semaphore, #tpu.memory_space<semaphore_mem>>)
      %dma_wait3A = arith.constant 0 : i32
      %dma_wait3A_38 = arith.constant 0 : i32
      %dma_wait3A_39 = tpu.memref_slice %arg3[%arg0, %dma_wait3A, %dma_wait3A_38] : memref<2x10240x16xf32, #tpu.memory_space<hbm>> -> memref<1x10240x16xf32, #tpu.memory_space<hbm>>
      %dma_wait3A_40 = tpu.memref_squeeze %dma_wait3A_39 : memref<1x10240x16xf32, #tpu.memory_space<hbm>> -> memref<10240x16xf32, #tpu.memory_space<hbm>>
      %dma_wait3A_41 = arith.constant 0 : i32
      %dma_wait3A_42 = tpu.memref_slice %dma_wait3A_40[%mul3A_30, %dma_wait3A_41] : memref<10240x16xf32, #tpu.memory_space<hbm>> -> memref<640x16xf32, #tpu.memory_space<hbm>>
      %dma_wait3A_43 = arith.constant 0 : i32
      %dma_wait3A_44 = tpu.memref_slice %arg8[%mul3A_28, %dma_wait3A_43] : memref<10240x16xf32, #tpu.memory_space<vmem_shared>> -> memref<640x16xf32, #tpu.memory_space<vmem_shared>>
      tpu.wait_dma2 semaphore(%run_scoped3A : memref<!tpu.dma_semaphore, #tpu.memory_space<semaphore_mem>>) src(%dma_wait3A_44 : memref<640x16xf32, #tpu.memory_space<vmem_shared>>) dst(%dma_wait3A_42 : memref<640x16xf32, #tpu.memory_space<hbm>>)
      tpu.yield
    }) : () -> ()
    return
  }
}

#map = affine_map<(d0, d1) -> (0, 0)>
#map1 = affine_map<(d0, d1) -> (0)>
#map2 = affine_map<(d0, d1) -> (0, 0, 0)>
module attributes {stable_mosaic.version = 14 : i64} {
  func.func @spmm_kernel(%arg0: i32, %arg1: i32, %arg2: memref<10000x128xf32, #tpu.memory_space<hbm>>, %arg3: memref<327680xi32, #tpu.memory_space<hbm>>, %arg4: memref<327680xi32, #tpu.memory_space<hbm>>, %arg5: memref<2x10240x128xf32, #tpu.memory_space<hbm>>, %arg6: memref<128xi32, #tpu.memory_space<vmem>>, %arg7: memref<128xi32, #tpu.memory_space<vmem>>, %arg8: memref<128x128xf32, #tpu.memory_space<vmem>>, %arg9: memref<10240x128xf32, #tpu.memory_space<vmem_shared>>, %arg10: memref<!tpu.dma_semaphore, #tpu.memory_space<semaphore_mem>>) attributes {dimension_semantics = [#tpu.dimension_semantics<core_parallel>, #tpu.dimension_semantics<subcore_parallel>], iteration_bounds = array<i64: 2, 16>, scalar_prefetch = 0 : i64, scratch_operands = 5 : i64, tpu.core_type = #tpu.core_type<sc_vector_subcore>, window_params = [{transform_indices = #map}, {transform_indices = #map1}, {transform_indices = #map1}, {transform_indices = #map2}]} {
    %mul3A = arith.constant 16 : i32
    %mul3A_0 = arith.muli %arg0, %mul3A : i32
    %add3A = arith.addi %mul3A_0, %arg1 : i32
    %mul3A_1 = arith.constant 10240 : i32
    %mul3A_2 = arith.muli %add3A, %mul3A_1 : i32
    %broadcast_in_dim3A = arith.constant 0.000000e+00 : f32
    %broadcast_in_dim3A_3 = vector.broadcast %broadcast_in_dim3A : f32 to vector<16xf32>
    %scan3A = arith.constant 0 : i32
    %scan3A_4 = arith.constant 0 : i32
    %scan3A_5 = arith.constant 1024 : i32
    %scan3A_6 = arith.addi %scan3A_4, %scan3A_5 : i32
    %scan3A_7 = arith.constant 1 : i32
    scf.for %scan3A_26 = %scan3A_4 to %scan3A_6 step %scan3A_7  : i32 {
      %jit3A = arith.constant 8 : i32
      %div3A = arith.divsi %scan3A_26, %jit3A : i32
      %sign3A = arith.constant 0 : i32
      %sign3A_27 = arith.cmpi sgt, %scan3A_26, %sign3A : i32
      %sign3A_28 = arith.extui %sign3A_27 : i1 to i32
      %sign3A_29 = arith.constant 0 : i32
      %sign3A_30 = arith.cmpi slt, %scan3A_26, %sign3A_29 : i32
      %sign3A_31 = arith.extui %sign3A_30 : i1 to i32
      %sign3A_32 = arith.subi %sign3A_28, %sign3A_31 : i32
      %sign3A_33 = arith.constant 0 : i32
      %sign3A_34 = arith.cmpi sgt, %jit3A, %sign3A_33 : i32
      %sign3A_35 = arith.extui %sign3A_34 : i1 to i32
      %sign3A_36 = arith.constant 0 : i32
      %sign3A_37 = arith.cmpi slt, %jit3A, %sign3A_36 : i32
      %sign3A_38 = arith.extui %sign3A_37 : i1 to i32
      %sign3A_39 = arith.subi %sign3A_35, %sign3A_38 : i32
      %ne3A = arith.cmpi ne, %sign3A_32, %sign3A_39 : i32
      %rem3A = arith.remsi %scan3A_26, %jit3A : i32
      %ne3A_40 = arith.constant 0 : i32
      %ne3A_41 = arith.cmpi ne, %rem3A, %ne3A_40 : i32
      %and3A = arith.andi %ne3A, %ne3A_41 : i1
      %sub3A = arith.constant 1 : i32
      %sub3A_42 = arith.subi %div3A, %sub3A : i32
      %select_n3A = arith.select %and3A, %sub3A_42, %div3A : i32
      %jit3A_43 = arith.constant 8 : i32
      %eq3A = arith.constant 0 : i32
      %eq3A_44 = arith.cmpi eq, %jit3A_43, %eq3A : i32
      %jit3A_45 = arith.constant 1 : i32
      %select_n3A_46 = arith.select %eq3A_44, %jit3A_45, %jit3A_43 : i32
      %rem3A_47 = arith.remsi %scan3A_26, %select_n3A_46 : i32
      %ne3A_48 = arith.constant 0 : i32
      %ne3A_49 = arith.cmpi ne, %rem3A_47, %ne3A_48 : i32
      %lt3A = arith.constant 0 : i32
      %lt3A_50 = arith.cmpi slt, %rem3A_47, %lt3A : i32
      %lt3A_51 = arith.constant 0 : i32
      %lt3A_52 = arith.cmpi slt, %select_n3A_46, %lt3A_51 : i32
      %ne3A_53 = arith.xori %lt3A_50, %lt3A_52 : i1
      %and3A_54 = arith.andi %ne3A_53, %ne3A_49 : i1
      %add3A_55 = arith.addi %rem3A_47, %select_n3A_46 : i32
      %select_n3A_56 = arith.select %and3A_54, %add3A_55, %rem3A_47 : i32
      %mul3A_57 = arith.constant 16 : i32
      %mul3A_58 = arith.muli %select_n3A_56, %mul3A_57 : i32
      %swap3A = arith.index_cast %select_n3A : i32 to index
      %swap3A_59 = arith.index_cast %mul3A_58 : i32 to index
      %swap3A_60 = tpu.vector_load %arg8[%swap3A, %swap3A_59] {strides = array<i32>} : memref<128x128xf32, #tpu.memory_space<vmem>>, vector<1x16xf32>,
      %swap3A_61 = vector.shape_cast %swap3A_60 : vector<1x16xf32> to vector<16xf32>
      %swap3A_62 = vector.shape_cast %broadcast_in_dim3A_3 : vector<16xf32> to vector<1x16xf32>
      tpu.vector_store %arg8[%swap3A, %swap3A_59], %swap3A_62 {strides = array<i32>} : memref<128x128xf32, #tpu.memory_space<vmem>>, vector<1x16xf32>,
    }
    %scan3A_8 = arith.constant 1024 : i32
    %scan3A_9 = arith.constant 0 : i32
    %scan3A_10 = arith.constant 0 : i32
    %scan3A_11 = arith.constant 5 : i32
    %scan3A_12 = arith.addi %scan3A_10, %scan3A_11 : i32
    %scan3A_13 = arith.constant 1 : i32
    scf.for %scan3A_26 = %scan3A_10 to %scan3A_12 step %scan3A_13  : i32 {
      %mul3A_27 = arith.constant 640 : i32
      %mul3A_28 = arith.muli %arg1, %mul3A_27 : i32
      %mul3A_29 = arith.constant 128 : i32
      %mul3A_30 = arith.muli %scan3A_26, %mul3A_29 : i32
      %add3A_31 = arith.addi %mul3A_28, %mul3A_30 : i32
      "tpu.region"() ({
        %run_scoped3A = tpu.sem_alloc : memref<!tpu.dma_semaphore, #tpu.memory_space<semaphore_mem>>
        %dma_start3A = arith.constant 0 : i32
        %dma_start3A_32 = tpu.memref_slice %arg9[%add3A_31, %dma_start3A] : memref<10240x128xf32, #tpu.memory_space<vmem_shared>> -> memref<128x128xf32, #tpu.memory_space<vmem_shared>>
        %dma_start3A_33 = arith.constant 0 : i32
        %dma_start3A_34 = tpu.memref_slice %arg9[%add3A_31, %dma_start3A_33] : memref<10240x128xf32, #tpu.memory_space<vmem_shared>> -> memref<128x128xf32, #tpu.memory_space<vmem_shared>>
        tpu.enqueue_dma source(%arg8 : memref<128x128xf32, #tpu.memory_space<vmem>>) target(%dma_start3A_34 : memref<128x128xf32, #tpu.memory_space<vmem_shared>>) target_semaphore(%run_scoped3A : memref<!tpu.dma_semaphore, #tpu.memory_space<semaphore_mem>>)
        %dma_wait3A = arith.constant 0 : i32
        %dma_wait3A_35 = tpu.memref_slice %arg9[%add3A_31, %dma_wait3A] : memref<10240x128xf32, #tpu.memory_space<vmem_shared>> -> memref<128x128xf32, #tpu.memory_space<vmem_shared>>
        %dma_wait3A_36 = arith.constant 0 : i32
        %dma_wait3A_37 = tpu.memref_slice %arg9[%add3A_31, %dma_wait3A_36] : memref<10240x128xf32, #tpu.memory_space<vmem_shared>> -> memref<128x128xf32, #tpu.memory_space<vmem_shared>>
        tpu.wait_dma2 semaphore(%run_scoped3A : memref<!tpu.dma_semaphore, #tpu.memory_space<semaphore_mem>>) src(%arg8 : memref<128x128xf32, #tpu.memory_space<vmem>>) dst(%dma_wait3A_37 : memref<128x128xf32, #tpu.memory_space<vmem_shared>>)
        tpu.yield
      }) : () -> ()
    }
    %scan3A_14 = arith.constant 5 : i32
    %barrier3A = arith.constant 0 : index
    tpu.barrier barrier_id(%barrier3A)
    %scan3A_15 = arith.constant 0 : i32
    %scan3A_16 = arith.constant 0 : i32
    %scan3A_17 = arith.constant 80 : i32
    %scan3A_18 = arith.addi %scan3A_16, %scan3A_17 : i32
    %scan3A_19 = arith.constant 1 : i32
    scf.for %scan3A_26 = %scan3A_16 to %scan3A_18 step %scan3A_19  : i32 {
      %mul3A_27 = arith.constant 128 : i32
      %mul3A_28 = arith.muli %scan3A_26, %mul3A_27 : i32
      %add3A_29 = arith.addi %mul3A_2, %mul3A_28 : i32
      "tpu.region"() ({
        %run_scoped3A = tpu.sem_alloc : memref<!tpu.dma_semaphore, #tpu.memory_space<semaphore_mem>>
        %dma_start3A_34 = tpu.memref_slice %arg3[%add3A_29] : memref<327680xi32, #tpu.memory_space<hbm>> -> memref<128xi32, #tpu.memory_space<hbm>>
        %dma_start3A_35 = tpu.memref_slice %arg3[%add3A_29] : memref<327680xi32, #tpu.memory_space<hbm>> -> memref<128xi32, #tpu.memory_space<hbm>>
        tpu.enqueue_dma source(%dma_start3A_35 : memref<128xi32, #tpu.memory_space<hbm>>) target(%arg6 : memref<128xi32, #tpu.memory_space<vmem>>) target_semaphore(%run_scoped3A : memref<!tpu.dma_semaphore, #tpu.memory_space<semaphore_mem>>)
        %dma_wait3A_36 = tpu.memref_slice %arg3[%add3A_29] : memref<327680xi32, #tpu.memory_space<hbm>> -> memref<128xi32, #tpu.memory_space<hbm>>
        %dma_wait3A_37 = tpu.memref_slice %arg3[%add3A_29] : memref<327680xi32, #tpu.memory_space<hbm>> -> memref<128xi32, #tpu.memory_space<hbm>>
        tpu.wait_dma2 semaphore(%run_scoped3A : memref<!tpu.dma_semaphore, #tpu.memory_space<semaphore_mem>>) src(%dma_wait3A_37 : memref<128xi32, #tpu.memory_space<hbm>>) dst(%arg6 : memref<128xi32, #tpu.memory_space<vmem>>)
        tpu.yield
      }) : () -> ()
      "tpu.region"() ({
        %run_scoped3A = tpu.sem_alloc : memref<!tpu.dma_semaphore, #tpu.memory_space<semaphore_mem>>
        %dma_start3A_34 = tpu.memref_slice %arg4[%add3A_29] : memref<327680xi32, #tpu.memory_space<hbm>> -> memref<128xi32, #tpu.memory_space<hbm>>
        %dma_start3A_35 = tpu.memref_slice %arg4[%add3A_29] : memref<327680xi32, #tpu.memory_space<hbm>> -> memref<128xi32, #tpu.memory_space<hbm>>
        tpu.enqueue_dma source(%dma_start3A_35 : memref<128xi32, #tpu.memory_space<hbm>>) target(%arg7 : memref<128xi32, #tpu.memory_space<vmem>>) target_semaphore(%run_scoped3A : memref<!tpu.dma_semaphore, #tpu.memory_space<semaphore_mem>>)
        %dma_wait3A_36 = tpu.memref_slice %arg4[%add3A_29] : memref<327680xi32, #tpu.memory_space<hbm>> -> memref<128xi32, #tpu.memory_space<hbm>>
        %dma_wait3A_37 = tpu.memref_slice %arg4[%add3A_29] : memref<327680xi32, #tpu.memory_space<hbm>> -> memref<128xi32, #tpu.memory_space<hbm>>
        tpu.wait_dma2 semaphore(%run_scoped3A : memref<!tpu.dma_semaphore, #tpu.memory_space<semaphore_mem>>) src(%dma_wait3A_37 : memref<128xi32, #tpu.memory_space<hbm>>) dst(%arg7 : memref<128xi32, #tpu.memory_space<vmem>>)
        tpu.yield
      }) : () -> ()
      %dma_start3A = arith.constant 0 : i32
      %dma_start3A_30 = arith.constant 0 : i32
      %dma_start3A_31 = tpu.memref_slice %arg2[%dma_start3A, %dma_start3A_30] : memref<10000x128xf32, #tpu.memory_space<hbm>> -> memref<10000x128xf32, #tpu.memory_space<hbm>>
      tpu.enqueue_indirect_dma source(%dma_start3A_31 : memref<10000x128xf32, #tpu.memory_space<hbm>>) target(%arg8 : memref<128x128xf32, #tpu.memory_space<vmem>>) offsets(%arg6 : memref<128xi32, #tpu.memory_space<vmem>>) semaphore(%arg10 : memref<!tpu.dma_semaphore, #tpu.memory_space<semaphore_mem>>)
      %dma_wait3A = arith.constant 0 : i32
      %dma_wait3A_32 = arith.constant 0 : i32
      %dma_wait3A_33 = tpu.memref_slice %arg2[%dma_wait3A, %dma_wait3A_32] : memref<10000x128xf32, #tpu.memory_space<hbm>> -> memref<10000x128xf32, #tpu.memory_space<hbm>>
      tpu.wait_indirect_dma semaphore(%arg10 : memref<!tpu.dma_semaphore, #tpu.memory_space<semaphore_mem>>) src(%dma_wait3A_33 : memref<10000x128xf32, #tpu.memory_space<hbm>>) dst(%arg8 : memref<128x128xf32, #tpu.memory_space<vmem>>)
      "tpu.region"() ({
        %run_scoped3A = tpu.sem_alloc : memref<!tpu.dma_semaphore, #tpu.memory_space<semaphore_mem>>
        %dma_start3A_34 = arith.constant 0 : i32
        %dma_start3A_35 = arith.constant 0 : i32
        %dma_start3A_36 = tpu.memref_slice %arg9[%dma_start3A_34, %dma_start3A_35] : memref<10240x128xf32, #tpu.memory_space<vmem_shared>> -> memref<10240x128xf32, #tpu.memory_space<vmem_shared>>
        tpu.enqueue_indirect_dma source(%arg8 : memref<128x128xf32, #tpu.memory_space<vmem>>) target(%dma_start3A_36 : memref<10240x128xf32, #tpu.memory_space<vmem_shared>>) offsets(%arg7 : memref<128xi32, #tpu.memory_space<vmem>>) semaphore(%run_scoped3A : memref<!tpu.dma_semaphore, #tpu.memory_space<semaphore_mem>>) {add = true}
        %dma_wait3A_37 = arith.constant 0 : i32
        %dma_wait3A_38 = arith.constant 0 : i32
        %dma_wait3A_39 = tpu.memref_slice %arg9[%dma_wait3A_37, %dma_wait3A_38] : memref<10240x128xf32, #tpu.memory_space<vmem_shared>> -> memref<10240x128xf32, #tpu.memory_space<vmem_shared>>
        tpu.wait_indirect_dma semaphore(%run_scoped3A : memref<!tpu.dma_semaphore, #tpu.memory_space<semaphore_mem>>) src(%arg8 : memref<128x128xf32, #tpu.memory_space<vmem>>) dst(%dma_wait3A_39 : memref<10240x128xf32, #tpu.memory_space<vmem_shared>>)
        tpu.yield
      }) : () -> ()
    }
    %scan3A_20 = arith.constant 80 : i32
    %barrier3A_21 = arith.constant 0 : index
    tpu.barrier barrier_id(%barrier3A_21)
    %mul3A_22 = arith.constant 640 : i32
    %mul3A_23 = arith.muli %arg1, %mul3A_22 : i32
    %mul3A_24 = arith.constant 640 : i32
    %mul3A_25 = arith.muli %arg1, %mul3A_24 : i32
    "tpu.region"() ({
      %run_scoped3A = tpu.sem_alloc : memref<!tpu.dma_semaphore, #tpu.memory_space<semaphore_mem>>
      %dma_start3A = arith.constant 0 : i32
      %dma_start3A_26 = arith.constant 0 : i32
      %dma_start3A_27 = tpu.memref_slice %arg5[%arg0, %dma_start3A, %dma_start3A_26] : memref<2x10240x128xf32, #tpu.memory_space<hbm>> -> memref<1x10240x128xf32, #tpu.memory_space<hbm>>
      %dma_start3A_28 = tpu.memref_squeeze %dma_start3A_27 : memref<1x10240x128xf32, #tpu.memory_space<hbm>> -> memref<10240x128xf32, #tpu.memory_space<hbm>>
      %dma_start3A_29 = arith.constant 0 : i32
      %dma_start3A_30 = tpu.memref_slice %dma_start3A_28[%mul3A_25, %dma_start3A_29] : memref<10240x128xf32, #tpu.memory_space<hbm>> -> memref<640x128xf32, #tpu.memory_space<hbm>>
      %dma_start3A_31 = arith.constant 0 : i32
      %dma_start3A_32 = tpu.memref_slice %arg9[%mul3A_23, %dma_start3A_31] : memref<10240x128xf32, #tpu.memory_space<vmem_shared>> -> memref<640x128xf32, #tpu.memory_space<vmem_shared>>
      tpu.enqueue_dma source(%dma_start3A_32 : memref<640x128xf32, #tpu.memory_space<vmem_shared>>) target(%dma_start3A_30 : memref<640x128xf32, #tpu.memory_space<hbm>>) target_semaphore(%run_scoped3A : memref<!tpu.dma_semaphore, #tpu.memory_space<semaphore_mem>>)
      %dma_wait3A = arith.constant 0 : i32
      %dma_wait3A_33 = arith.constant 0 : i32
      %dma_wait3A_34 = tpu.memref_slice %arg5[%arg0, %dma_wait3A, %dma_wait3A_33] : memref<2x10240x128xf32, #tpu.memory_space<hbm>> -> memref<1x10240x128xf32, #tpu.memory_space<hbm>>
      %dma_wait3A_35 = tpu.memref_squeeze %dma_wait3A_34 : memref<1x10240x128xf32, #tpu.memory_space<hbm>> -> memref<10240x128xf32, #tpu.memory_space<hbm>>
      %dma_wait3A_36 = arith.constant 0 : i32
      %dma_wait3A_37 = tpu.memref_slice %dma_wait3A_35[%mul3A_25, %dma_wait3A_36] : memref<10240x128xf32, #tpu.memory_space<hbm>> -> memref<640x128xf32, #tpu.memory_space<hbm>>
      %dma_wait3A_38 = arith.constant 0 : i32
      %dma_wait3A_39 = tpu.memref_slice %arg9[%mul3A_23, %dma_wait3A_38] : memref<10240x128xf32, #tpu.memory_space<vmem_shared>> -> memref<640x128xf32, #tpu.memory_space<vmem_shared>>
      tpu.wait_dma2 semaphore(%run_scoped3A : memref<!tpu.dma_semaphore, #tpu.memory_space<semaphore_mem>>) src(%dma_wait3A_39 : memref<640x128xf32, #tpu.memory_space<vmem_shared>>) dst(%dma_wait3A_37 : memref<640x128xf32, #tpu.memory_space<hbm>>)
      tpu.yield
    }) : () -> ()
    return
  }
}

module attributes {stable_mosaic.version = 14 : i64} {
  func.func @_pre_body(%arg0: i32, %arg1: memref<1000x128xf32, #tpu.memory_space<vmem>>, %arg2: memref<128x128xf32, #tpu.memory_space<vmem>>, %arg3: memref<2x1000x16xf32, #tpu.memory_space<vmem>>, %arg4: memref<1000x128xf32, #tpu.memory_space<vmem>>) attributes {dimension_semantics = [#tpu.dimension_semantics<arbitrary>], iteration_bounds = array<i64: 10>, scalar_prefetch = 0 : i64, scratch_operands = 0 : i64, tpu.core_type = #tpu.core_type<tc>, window_params = [{transform_indices = @transform_0, window_bounds = array<i64: 1000, 128>}, {pipeline_mode = #tpu.pipeline_mode<synchronous>, transform_indices = @transform_1, window_bounds = array<i64: 128, 128>}, {transform_indices = @transform_2, window_bounds = array<i64: 2, 1000, 16>}, {transform_indices = @transform_3, window_bounds = array<i64: 1000, 128>}]} {
    %get3A = arith.constant 0 : index
    %get3A_0 = arith.constant 0 : index
    %get3A_1 = arith.constant 0 : index
    %get3A_2 = vector.load %arg3[%get3A, %get3A_0, %get3A_1] : memref<2x1000x16xf32, #tpu.memory_space<vmem>>, vector<2x1000x16xf32>
    %slice3A = vector.extract_strided_slice %get3A_2 {offsets = [0, 0, 0], sizes = [1, 1000, 1], strides = [1, 1, 1]} : vector<2x1000x16xf32> to vector<1x1000x1xf32>
    %squeeze3A = vector.shape_cast %slice3A : vector<1x1000x1xf32> to vector<1000xf32>
    %slice3A_3 = vector.extract_strided_slice %get3A_2 {offsets = [1, 0, 0], sizes = [1, 1000, 1], strides = [1, 1, 1]} : vector<2x1000x16xf32> to vector<1x1000x1xf32>
    %squeeze3A_4 = vector.shape_cast %slice3A_3 : vector<1x1000x1xf32> to vector<1000xf32>
    %add3A = arith.addf %squeeze3A, %squeeze3A_4 : vector<1000xf32>
    %add3A_5 = arith.constant 1.000000e+00 : f32
    %add3A_6 = vector.broadcast %add3A_5 : f32 to vector<1000xf32>
    %add3A_7 = arith.addf %add3A, %add3A_6 : vector<1000xf32>
    %rsqrt3A = math.rsqrt %add3A_7 : vector<1000xf32>
    %get3A_8 = arith.constant 0 : index
    %get3A_9 = arith.constant 0 : index
    %get3A_10 = vector.load %arg1[%get3A_8, %get3A_9] : memref<1000x128xf32, #tpu.memory_space<vmem>>, vector<1000x128xf32>
    %get3A_11 = arith.constant 0 : index
    %get3A_12 = arith.constant 0 : index
    %get3A_13 = vector.load %arg2[%get3A_11, %get3A_12] : memref<128x128xf32, #tpu.memory_space<vmem>>, vector<128x128xf32>
    %dot_general3A = arith.constant dense<0.000000e+00> : vector<1000x128xf32>
    %dot_general3A_14 = tpu.matmul %get3A_10, %get3A_13, %dot_general3A {dimension_numbers = #tpu.dot_dimension_numbers<[1], [0], [0], [1], [0, 0, 1, 1], [], []>, transpose_lhs_hint = false} : vector<1000x128xf32>, vector<128x128xf32>, vector<1000x128xf32> -> vector<1000x128xf32>
    %broadcast_in_dim3A = vector.shape_cast %rsqrt3A : vector<1000xf32> to vector<1000x1xf32>
    %mul3A = vector.broadcast %broadcast_in_dim3A : vector<1000x1xf32> to vector<1000x128xf32>
    %mul3A_15 = arith.mulf %dot_general3A_14, %mul3A : vector<1000x128xf32>
    %swap3A = arith.constant 0 : index
    %swap3A_16 = arith.constant 0 : index
    %swap3A_17 = vector.load %arg4[%swap3A, %swap3A_16] : memref<1000x128xf32, #tpu.memory_space<vmem>>, vector<1000x128xf32>
    tpu.vector_store %arg4[%swap3A, %swap3A_16], %mul3A_15 {strides = array<i32>} : memref<1000x128xf32, #tpu.memory_space<vmem>>, vector<1000x128xf32>,
    return
  }
  func.func @transform_0(%arg0: i32) -> (i32, i32) {
    %c0_i32 = arith.constant 0 : i32
    %c0_i32_0 = arith.constant 0 : i32
    return %arg0, %c0_i32 : i32, i32
  }
  func.func @transform_1(%arg0: i32) -> (i32, i32) {
    %c0_i32 = arith.constant 0 : i32
    %c0_i32_0 = arith.constant 0 : i32
    %c0_i32_1 = arith.constant 0 : i32
    return %c0_i32, %c0_i32_0 : i32, i32
  }
  func.func @transform_2(%arg0: i32) -> (i32, i32, i32) {
    %c0_i32 = arith.constant 0 : i32
    %c0_i32_0 = arith.constant 0 : i32
    %c0_i32_1 = arith.constant 0 : i32
    return %c0_i32, %arg0, %c0_i32_0 : i32, i32, i32
  }
  func.func @transform_3(%arg0: i32) -> (i32, i32) {
    %c0_i32 = arith.constant 0 : i32
    %c0_i32_0 = arith.constant 0 : i32
    return %arg0, %c0_i32 : i32, i32
  }
}

module attributes {stable_mosaic.version = 14 : i64} {
  func.func @_sum_body(%arg0: i32, %arg1: memref<2x1000x128xf32, #tpu.memory_space<vmem>>, %arg2: memref<1000x128xf32, #tpu.memory_space<vmem>>, %arg3: memref<2x1000x16xf32, #tpu.memory_space<vmem>>, %arg4: memref<1000x128xf32, #tpu.memory_space<vmem>>, %arg5: memref<8x128xf32, #tpu.memory_space<vmem>>) attributes {dimension_semantics = [#tpu.dimension_semantics<arbitrary>], iteration_bounds = array<i64: 10>, scalar_prefetch = 0 : i64, scratch_operands = 0 : i64, tpu.core_type = #tpu.core_type<tc>, window_params = [{transform_indices = @transform_0, window_bounds = array<i64: 2, 1000, 128>}, {transform_indices = @transform_1, window_bounds = array<i64: 1000, 128>}, {transform_indices = @transform_2, window_bounds = array<i64: 2, 1000, 16>}, {transform_indices = @transform_3, window_bounds = array<i64: 1000, 128>}, {pipeline_mode = #tpu.pipeline_mode<synchronous>, transform_indices = @transform_4, window_bounds = array<i64: 8, 128>}]} {
    %get3A = arith.constant 0 : index
    %get3A_0 = arith.constant 0 : index
    %get3A_1 = arith.constant 0 : index
    %get3A_2 = vector.load %arg3[%get3A, %get3A_0, %get3A_1] : memref<2x1000x16xf32, #tpu.memory_space<vmem>>, vector<2x1000x16xf32>
    %slice3A = vector.extract_strided_slice %get3A_2 {offsets = [0, 0, 0], sizes = [1, 1000, 1], strides = [1, 1, 1]} : vector<2x1000x16xf32> to vector<1x1000x1xf32>
    %squeeze3A = vector.shape_cast %slice3A : vector<1x1000x1xf32> to vector<1000xf32>
    %slice3A_3 = vector.extract_strided_slice %get3A_2 {offsets = [1, 0, 0], sizes = [1, 1000, 1], strides = [1, 1, 1]} : vector<2x1000x16xf32> to vector<1x1000x1xf32>
    %squeeze3A_4 = vector.shape_cast %slice3A_3 : vector<1x1000x1xf32> to vector<1000xf32>
    %add3A = arith.addf %squeeze3A, %squeeze3A_4 : vector<1000xf32>
    %add3A_5 = arith.constant 1.000000e+00 : f32
    %add3A_6 = vector.broadcast %add3A_5 : f32 to vector<1000xf32>
    %add3A_7 = arith.addf %add3A, %add3A_6 : vector<1000xf32>
    %rsqrt3A = math.rsqrt %add3A_7 : vector<1000xf32>
    %get3A_8 = arith.constant 0 : index
    %get3A_9 = arith.constant 0 : index
    %get3A_10 = arith.constant 0 : index
    %get3A_11 = vector.load %arg1[%get3A_8, %get3A_9, %get3A_10] : memref<2x1000x128xf32, #tpu.memory_space<vmem>>, vector<1x1000x128xf32>
    %get3A_12 = vector.shape_cast %get3A_11 : vector<1x1000x128xf32> to vector<1000x128xf32>
    %get3A_13 = arith.constant 1 : index
    %get3A_14 = arith.constant 0 : index
    %get3A_15 = arith.constant 0 : index
    %get3A_16 = vector.load %arg1[%get3A_13, %get3A_14, %get3A_15] : memref<2x1000x128xf32, #tpu.memory_space<vmem>>, vector<1x1000x128xf32>
    %get3A_17 = vector.shape_cast %get3A_16 : vector<1x1000x128xf32> to vector<1000x128xf32>
    %add3A_18 = arith.addf %get3A_12, %get3A_17 : vector<1000x128xf32>
    %get3A_19 = arith.constant 0 : index
    %get3A_20 = arith.constant 0 : index
    %get3A_21 = vector.load %arg2[%get3A_19, %get3A_20] : memref<1000x128xf32, #tpu.memory_space<vmem>>, vector<1000x128xf32>
    %add3A_22 = arith.addf %add3A_18, %get3A_21 : vector<1000x128xf32>
    %broadcast_in_dim3A = vector.shape_cast %rsqrt3A : vector<1000xf32> to vector<1000x1xf32>
    %mul3A = vector.broadcast %broadcast_in_dim3A : vector<1000x1xf32> to vector<1000x128xf32>
    %mul3A_23 = arith.mulf %add3A_22, %mul3A : vector<1000x128xf32>
    %swap3A = arith.constant 0 : index
    %swap3A_24 = arith.constant 0 : index
    %swap3A_25 = vector.load %arg4[%swap3A, %swap3A_24] : memref<1000x128xf32, #tpu.memory_space<vmem>>, vector<1000x128xf32>
    tpu.vector_store %arg4[%swap3A, %swap3A_24], %mul3A_23 {strides = array<i32>} : memref<1000x128xf32, #tpu.memory_space<vmem>>, vector<1000x128xf32>,
    %reduce_sum3A = arith.constant dense<0.000000e+00> : vector<128xf32>
    %reduce_sum3A_26 = vector.multi_reduction <add>, %mul3A_23, %reduce_sum3A [0] : vector<1000x128xf32> to vector<128xf32>
    %mul3A_27 = arith.mulf %mul3A_23, %mul3A_23 : vector<1000x128xf32>
    %reduce_sum3A_28 = arith.constant dense<0.000000e+00> : vector<128xf32>
    %reduce_sum3A_29 = vector.multi_reduction <add>, %mul3A_27, %reduce_sum3A_28 [0] : vector<1000x128xf32> to vector<128xf32>
    %broadcast_in_dim3A_30 = vector.shape_cast %reduce_sum3A_26 : vector<128xf32> to vector<1x128xf32>
    %broadcast_in_dim3A_31 = vector.shape_cast %reduce_sum3A_29 : vector<128xf32> to vector<1x128xf32>
    %broadcast_in_dim3A_32 = arith.constant 0.000000e+00 : f32
    %broadcast_in_dim3A_33 = vector.broadcast %broadcast_in_dim3A_32 : f32 to vector<6x128xf32>
    %concatenate3A = tpu.concatenate %broadcast_in_dim3A_30, %broadcast_in_dim3A_31, %broadcast_in_dim3A_33 in 0 : vector<1x128xf32>, vector<1x128xf32>, vector<6x128xf32> -> vector<8x128xf32>
    %eq3A = arith.constant 0 : i32
    %eq3A_34 = arith.cmpi eq, %arg0, %eq3A : i32
    %convert_element_type3A = arith.extui %eq3A_34 : i1 to i32
    %cond3A = arith.constant 0 : i32
    %cond3A_35 = arith.cmpi ne, %convert_element_type3A, %cond3A : i32
    scf.if %cond3A_35 {
      %swap3A_40 = arith.constant 0 : index
      %swap3A_41 = arith.constant 0 : index
      %swap3A_42 = vector.load %arg5[%swap3A_40, %swap3A_41] : memref<8x128xf32, #tpu.memory_space<vmem>>, vector<8x128xf32>
      tpu.vector_store %arg5[%swap3A_40, %swap3A_41], %concatenate3A {strides = array<i32>} : memref<8x128xf32, #tpu.memory_space<vmem>>, vector<8x128xf32>,
    } else {
    }
    %gt3A = arith.constant 0 : i32
    %gt3A_36 = arith.cmpi sgt, %arg0, %gt3A : i32
    %convert_element_type3A_37 = arith.extui %gt3A_36 : i1 to i32
    %cond3A_38 = arith.constant 0 : i32
    %cond3A_39 = arith.cmpi ne, %convert_element_type3A_37, %cond3A_38 : i32
    scf.if %cond3A_39 {
      %get3A_40 = arith.constant 0 : index
      %get3A_41 = arith.constant 0 : index
      %get3A_42 = vector.load %arg5[%get3A_40, %get3A_41] : memref<8x128xf32, #tpu.memory_space<vmem>>, vector<8x128xf32>
      %add3A_43 = arith.addf %get3A_42, %concatenate3A : vector<8x128xf32>
      %swap3A_44 = arith.constant 0 : index
      %swap3A_45 = arith.constant 0 : index
      %swap3A_46 = vector.load %arg5[%swap3A_44, %swap3A_45] : memref<8x128xf32, #tpu.memory_space<vmem>>, vector<8x128xf32>
      tpu.vector_store %arg5[%swap3A_44, %swap3A_45], %add3A_43 {strides = array<i32>} : memref<8x128xf32, #tpu.memory_space<vmem>>, vector<8x128xf32>,
    } else {
    }
    return
  }
  func.func @transform_0(%arg0: i32) -> (i32, i32, i32) {
    %c0_i32 = arith.constant 0 : i32
    %c0_i32_0 = arith.constant 0 : i32
    %c0_i32_1 = arith.constant 0 : i32
    return %c0_i32, %arg0, %c0_i32_0 : i32, i32, i32
  }
  func.func @transform_1(%arg0: i32) -> (i32, i32) {
    %c0_i32 = arith.constant 0 : i32
    %c0_i32_0 = arith.constant 0 : i32
    return %arg0, %c0_i32 : i32, i32
  }
  func.func @transform_2(%arg0: i32) -> (i32, i32, i32) {
    %c0_i32 = arith.constant 0 : i32
    %c0_i32_0 = arith.constant 0 : i32
    %c0_i32_1 = arith.constant 0 : i32
    return %c0_i32, %arg0, %c0_i32_0 : i32, i32, i32
  }
  func.func @transform_3(%arg0: i32) -> (i32, i32) {
    %c0_i32 = arith.constant 0 : i32
    %c0_i32_0 = arith.constant 0 : i32
    return %arg0, %c0_i32 : i32, i32
  }
  func.func @transform_4(%arg0: i32) -> (i32, i32) {
    %c0_i32 = arith.constant 0 : i32
    %c0_i32_0 = arith.constant 0 : i32
    %c0_i32_1 = arith.constant 0 : i32
    return %c0_i32, %c0_i32_0 : i32, i32
  }
}

module attributes {stable_mosaic.version = 14 : i64} {
  func.func @_apply_body(%arg0: i32, %arg1: memref<1000x128xf32, #tpu.memory_space<vmem>>, %arg2: memref<8x128xf32, #tpu.memory_space<vmem>>, %arg3: memref<8x128xf32, #tpu.memory_space<vmem>>, %arg4: memref<2x1000x16xf32, #tpu.memory_space<vmem>>, %arg5: memref<128x128xf32, #tpu.memory_space<vmem>>, %arg6: memref<1000x128xf32, #tpu.memory_space<vmem>>) attributes {dimension_semantics = [#tpu.dimension_semantics<arbitrary>], iteration_bounds = array<i64: 10>, scalar_prefetch = 0 : i64, scratch_operands = 0 : i64, tpu.core_type = #tpu.core_type<tc>, window_params = [{transform_indices = @transform_0, window_bounds = array<i64: 1000, 128>}, {pipeline_mode = #tpu.pipeline_mode<synchronous>, transform_indices = @transform_1, window_bounds = array<i64: 8, 128>}, {pipeline_mode = #tpu.pipeline_mode<synchronous>, transform_indices = @transform_2, window_bounds = array<i64: 8, 128>}, {transform_indices = @transform_3, window_bounds = array<i64: 2, 1000, 16>}, {pipeline_mode = #tpu.pipeline_mode<synchronous>, transform_indices = @transform_4, window_bounds = array<i64: 128, 128>}, {transform_indices = @transform_5, window_bounds = array<i64: 1000, 128>}]} {
    %get3A = arith.constant 0 : index
    %get3A_0 = arith.constant 0 : index
    %get3A_1 = vector.load %arg1[%get3A, %get3A_0] : memref<1000x128xf32, #tpu.memory_space<vmem>>, vector<1000x128xf32>
    %get3A_2 = arith.constant 0 : index
    %get3A_3 = arith.constant 0 : index
    %get3A_4 = vector.load %arg2[%get3A_2, %get3A_3] : memref<8x128xf32, #tpu.memory_space<vmem>>, vector<8x128xf32>
    %get3A_5 = arith.constant 0 : index
    %get3A_6 = arith.constant 0 : index
    %get3A_7 = vector.load %arg3[%get3A_5, %get3A_6] : memref<8x128xf32, #tpu.memory_space<vmem>>, vector<8x128xf32>
    %slice3A = vector.extract_strided_slice %get3A_4 {offsets = [0, 0], sizes = [1, 128], strides = [1, 1]} : vector<8x128xf32> to vector<1x128xf32>
    %squeeze3A = vector.shape_cast %slice3A : vector<1x128xf32> to vector<128xf32>
    %mul3A = arith.constant 9.99999974E-5 : f32
    %mul3A_8 = vector.broadcast %mul3A : f32 to vector<128xf32>
    %mul3A_9 = arith.mulf %squeeze3A, %mul3A_8 : vector<128xf32>
    %slice3A_10 = vector.extract_strided_slice %get3A_4 {offsets = [1, 0], sizes = [1, 128], strides = [1, 1]} : vector<8x128xf32> to vector<1x128xf32>
    %squeeze3A_11 = vector.shape_cast %slice3A_10 : vector<1x128xf32> to vector<128xf32>
    %mul3A_12 = arith.constant 9.99999974E-5 : f32
    %mul3A_13 = vector.broadcast %mul3A_12 : f32 to vector<128xf32>
    %mul3A_14 = arith.mulf %squeeze3A_11, %mul3A_13 : vector<128xf32>
    %mul3A_15 = arith.mulf %mul3A_9, %mul3A_9 : vector<128xf32>
    %sub3A = arith.subf %mul3A_14, %mul3A_15 : vector<128xf32>
    %add3A = arith.constant 9.99999974E-6 : f32
    %add3A_16 = vector.broadcast %add3A : f32 to vector<128xf32>
    %add3A_17 = arith.addf %sub3A, %add3A_16 : vector<128xf32>
    %rsqrt3A = math.rsqrt %add3A_17 : vector<128xf32>
    %slice3A_18 = vector.extract_strided_slice %get3A_7 {offsets = [0, 0], sizes = [1, 128], strides = [1, 1]} : vector<8x128xf32> to vector<1x128xf32>
    %squeeze3A_19 = vector.shape_cast %slice3A_18 : vector<1x128xf32> to vector<128xf32>
    %broadcast_in_dim3A = vector.shape_cast %mul3A_9 : vector<128xf32> to vector<1x128xf32>
    %sub3A_20 = vector.broadcast %broadcast_in_dim3A : vector<1x128xf32> to vector<1000x128xf32>
    %sub3A_21 = arith.subf %get3A_1, %sub3A_20 : vector<1000x128xf32>
    %broadcast_in_dim3A_22 = vector.shape_cast %rsqrt3A : vector<128xf32> to vector<1x128xf32>
    %mul3A_23 = vector.broadcast %broadcast_in_dim3A_22 : vector<1x128xf32> to vector<1000x128xf32>
    %mul3A_24 = arith.mulf %sub3A_21, %mul3A_23 : vector<1000x128xf32>
    %broadcast_in_dim3A_25 = vector.shape_cast %squeeze3A_19 : vector<128xf32> to vector<1x128xf32>
    %mul3A_26 = vector.broadcast %broadcast_in_dim3A_25 : vector<1x128xf32> to vector<1000x128xf32>
    %mul3A_27 = arith.mulf %mul3A_26, %mul3A_24 : vector<1000x128xf32>
    %slice3A_28 = vector.extract_strided_slice %get3A_7 {offsets = [1, 0], sizes = [1, 128], strides = [1, 1]} : vector<8x128xf32> to vector<1x128xf32>
    %squeeze3A_29 = vector.shape_cast %slice3A_28 : vector<1x128xf32> to vector<128xf32>
    %broadcast_in_dim3A_30 = vector.shape_cast %squeeze3A_29 : vector<128xf32> to vector<1x128xf32>
    %add3A_31 = vector.broadcast %broadcast_in_dim3A_30 : vector<1x128xf32> to vector<1000x128xf32>
    %add3A_32 = arith.addf %mul3A_27, %add3A_31 : vector<1000x128xf32>
    %max3A = arith.constant 0.000000e+00 : f32
    %max3A_33 = vector.broadcast %max3A : f32 to vector<1000x128xf32>
    %max3A_34 = arith.maximumf %add3A_32, %max3A_33 : vector<1000x128xf32>
    %get3A_35 = arith.constant 0 : index
    %get3A_36 = arith.constant 0 : index
    %get3A_37 = arith.constant 0 : index
    %get3A_38 = vector.load %arg4[%get3A_35, %get3A_36, %get3A_37] : memref<2x1000x16xf32, #tpu.memory_space<vmem>>, vector<2x1000x16xf32>
    %slice3A_39 = vector.extract_strided_slice %get3A_38 {offsets = [0, 0, 0], sizes = [1, 1000, 1], strides = [1, 1, 1]} : vector<2x1000x16xf32> to vector<1x1000x1xf32>
    %squeeze3A_40 = vector.shape_cast %slice3A_39 : vector<1x1000x1xf32> to vector<1000xf32>
    %slice3A_41 = vector.extract_strided_slice %get3A_38 {offsets = [1, 0, 0], sizes = [1, 1000, 1], strides = [1, 1, 1]} : vector<2x1000x16xf32> to vector<1x1000x1xf32>
    %squeeze3A_42 = vector.shape_cast %slice3A_41 : vector<1x1000x1xf32> to vector<1000xf32>
    %add3A_43 = arith.addf %squeeze3A_40, %squeeze3A_42 : vector<1000xf32>
    %add3A_44 = arith.constant 1.000000e+00 : f32
    %add3A_45 = vector.broadcast %add3A_44 : f32 to vector<1000xf32>
    %add3A_46 = arith.addf %add3A_43, %add3A_45 : vector<1000xf32>
    %rsqrt3A_47 = math.rsqrt %add3A_46 : vector<1000xf32>
    %get3A_48 = arith.constant 0 : index
    %get3A_49 = arith.constant 0 : index
    %get3A_50 = vector.load %arg5[%get3A_48, %get3A_49] : memref<128x128xf32, #tpu.memory_space<vmem>>, vector<128x128xf32>
    %dot_general3A = arith.constant dense<0.000000e+00> : vector<1000x128xf32>
    %dot_general3A_51 = tpu.matmul %max3A_34, %get3A_50, %dot_general3A {dimension_numbers = #tpu.dot_dimension_numbers<[1], [0], [0], [1], [0, 0, 1, 1], [], []>, transpose_lhs_hint = false} : vector<1000x128xf32>, vector<128x128xf32>, vector<1000x128xf32> -> vector<1000x128xf32>
    %broadcast_in_dim3A_52 = vector.shape_cast %rsqrt3A_47 : vector<1000xf32> to vector<1000x1xf32>
    %mul3A_53 = vector.broadcast %broadcast_in_dim3A_52 : vector<1000x1xf32> to vector<1000x128xf32>
    %mul3A_54 = arith.mulf %dot_general3A_51, %mul3A_53 : vector<1000x128xf32>
    %swap3A = arith.constant 0 : index
    %swap3A_55 = arith.constant 0 : index
    %swap3A_56 = vector.load %arg6[%swap3A, %swap3A_55] : memref<1000x128xf32, #tpu.memory_space<vmem>>, vector<1000x128xf32>
    tpu.vector_store %arg6[%swap3A, %swap3A_55], %mul3A_54 {strides = array<i32>} : memref<1000x128xf32, #tpu.memory_space<vmem>>, vector<1000x128xf32>,
    return
  }
  func.func @transform_0(%arg0: i32) -> (i32, i32) {
    %c0_i32 = arith.constant 0 : i32
    %c0_i32_0 = arith.constant 0 : i32
    return %arg0, %c0_i32 : i32, i32
  }
  func.func @transform_1(%arg0: i32) -> (i32, i32) {
    %c0_i32 = arith.constant 0 : i32
    %c0_i32_0 = arith.constant 0 : i32
    %c0_i32_1 = arith.constant 0 : i32
    return %c0_i32, %c0_i32_0 : i32, i32
  }
  func.func @transform_2(%arg0: i32) -> (i32, i32) {
    %c0_i32 = arith.constant 0 : i32
    %c0_i32_0 = arith.constant 0 : i32
    %c0_i32_1 = arith.constant 0 : i32
    return %c0_i32, %c0_i32_0 : i32, i32
  }
  func.func @transform_3(%arg0: i32) -> (i32, i32, i32) {
    %c0_i32 = arith.constant 0 : i32
    %c0_i32_0 = arith.constant 0 : i32
    %c0_i32_1 = arith.constant 0 : i32
    return %c0_i32, %arg0, %c0_i32_0 : i32, i32, i32
  }
  func.func @transform_4(%arg0: i32) -> (i32, i32) {
    %c0_i32 = arith.constant 0 : i32
    %c0_i32_0 = arith.constant 0 : i32
    %c0_i32_1 = arith.constant 0 : i32
    return %c0_i32, %c0_i32_0 : i32, i32
  }
  func.func @transform_5(%arg0: i32) -> (i32, i32) {
    %c0_i32 = arith.constant 0 : i32
    %c0_i32_0 = arith.constant 0 : i32
    return %arg0, %c0_i32 : i32, i32
  }
}

module attributes {stable_mosaic.version = 14 : i64} {
  func.func @_final_body(%arg0: i32, %arg1: memref<1000x128xf32, #tpu.memory_space<vmem>>, %arg2: memref<8x128xf32, #tpu.memory_space<vmem>>, %arg3: memref<8x128xf32, #tpu.memory_space<vmem>>, %arg4: memref<1000x128xf32, #tpu.memory_space<vmem>>) attributes {dimension_semantics = [#tpu.dimension_semantics<arbitrary>], iteration_bounds = array<i64: 10>, scalar_prefetch = 0 : i64, scratch_operands = 0 : i64, tpu.core_type = #tpu.core_type<tc>, window_params = [{transform_indices = @transform_0, window_bounds = array<i64: 1000, 128>}, {pipeline_mode = #tpu.pipeline_mode<synchronous>, transform_indices = @transform_1, window_bounds = array<i64: 8, 128>}, {pipeline_mode = #tpu.pipeline_mode<synchronous>, transform_indices = @transform_2, window_bounds = array<i64: 8, 128>}, {transform_indices = @transform_3, window_bounds = array<i64: 1000, 128>}]} {
    %get3A = arith.constant 0 : index
    %get3A_0 = arith.constant 0 : index
    %get3A_1 = vector.load %arg1[%get3A, %get3A_0] : memref<1000x128xf32, #tpu.memory_space<vmem>>, vector<1000x128xf32>
    %get3A_2 = arith.constant 0 : index
    %get3A_3 = arith.constant 0 : index
    %get3A_4 = vector.load %arg2[%get3A_2, %get3A_3] : memref<8x128xf32, #tpu.memory_space<vmem>>, vector<8x128xf32>
    %get3A_5 = arith.constant 0 : index
    %get3A_6 = arith.constant 0 : index
    %get3A_7 = vector.load %arg3[%get3A_5, %get3A_6] : memref<8x128xf32, #tpu.memory_space<vmem>>, vector<8x128xf32>
    %slice3A = vector.extract_strided_slice %get3A_4 {offsets = [0, 0], sizes = [1, 128], strides = [1, 1]} : vector<8x128xf32> to vector<1x128xf32>
    %squeeze3A = vector.shape_cast %slice3A : vector<1x128xf32> to vector<128xf32>
    %mul3A = arith.constant 9.99999974E-5 : f32
    %mul3A_8 = vector.broadcast %mul3A : f32 to vector<128xf32>
    %mul3A_9 = arith.mulf %squeeze3A, %mul3A_8 : vector<128xf32>
    %slice3A_10 = vector.extract_strided_slice %get3A_4 {offsets = [1, 0], sizes = [1, 128], strides = [1, 1]} : vector<8x128xf32> to vector<1x128xf32>
    %squeeze3A_11 = vector.shape_cast %slice3A_10 : vector<1x128xf32> to vector<128xf32>
    %mul3A_12 = arith.constant 9.99999974E-5 : f32
    %mul3A_13 = vector.broadcast %mul3A_12 : f32 to vector<128xf32>
    %mul3A_14 = arith.mulf %squeeze3A_11, %mul3A_13 : vector<128xf32>
    %mul3A_15 = arith.mulf %mul3A_9, %mul3A_9 : vector<128xf32>
    %sub3A = arith.subf %mul3A_14, %mul3A_15 : vector<128xf32>
    %add3A = arith.constant 9.99999974E-6 : f32
    %add3A_16 = vector.broadcast %add3A : f32 to vector<128xf32>
    %add3A_17 = arith.addf %sub3A, %add3A_16 : vector<128xf32>
    %rsqrt3A = math.rsqrt %add3A_17 : vector<128xf32>
    %slice3A_18 = vector.extract_strided_slice %get3A_7 {offsets = [0, 0], sizes = [1, 128], strides = [1, 1]} : vector<8x128xf32> to vector<1x128xf32>
    %squeeze3A_19 = vector.shape_cast %slice3A_18 : vector<1x128xf32> to vector<128xf32>
    %broadcast_in_dim3A = vector.shape_cast %mul3A_9 : vector<128xf32> to vector<1x128xf32>
    %sub3A_20 = vector.broadcast %broadcast_in_dim3A : vector<1x128xf32> to vector<1000x128xf32>
    %sub3A_21 = arith.subf %get3A_1, %sub3A_20 : vector<1000x128xf32>
    %broadcast_in_dim3A_22 = vector.shape_cast %rsqrt3A : vector<128xf32> to vector<1x128xf32>
    %mul3A_23 = vector.broadcast %broadcast_in_dim3A_22 : vector<1x128xf32> to vector<1000x128xf32>
    %mul3A_24 = arith.mulf %sub3A_21, %mul3A_23 : vector<1000x128xf32>
    %broadcast_in_dim3A_25 = vector.shape_cast %squeeze3A_19 : vector<128xf32> to vector<1x128xf32>
    %mul3A_26 = vector.broadcast %broadcast_in_dim3A_25 : vector<1x128xf32> to vector<1000x128xf32>
    %mul3A_27 = arith.mulf %mul3A_26, %mul3A_24 : vector<1000x128xf32>
    %slice3A_28 = vector.extract_strided_slice %get3A_7 {offsets = [1, 0], sizes = [1, 128], strides = [1, 1]} : vector<8x128xf32> to vector<1x128xf32>
    %squeeze3A_29 = vector.shape_cast %slice3A_28 : vector<1x128xf32> to vector<128xf32>
    %broadcast_in_dim3A_30 = vector.shape_cast %squeeze3A_29 : vector<128xf32> to vector<1x128xf32>
    %add3A_31 = vector.broadcast %broadcast_in_dim3A_30 : vector<1x128xf32> to vector<1000x128xf32>
    %add3A_32 = arith.addf %mul3A_27, %add3A_31 : vector<1000x128xf32>
    %max3A = arith.constant 0.000000e+00 : f32
    %max3A_33 = vector.broadcast %max3A : f32 to vector<1000x128xf32>
    %max3A_34 = arith.maximumf %add3A_32, %max3A_33 : vector<1000x128xf32>
    %swap3A = arith.constant 0 : index
    %swap3A_35 = arith.constant 0 : index
    %swap3A_36 = vector.load %arg4[%swap3A, %swap3A_35] : memref<1000x128xf32, #tpu.memory_space<vmem>>, vector<1000x128xf32>
    tpu.vector_store %arg4[%swap3A, %swap3A_35], %max3A_34 {strides = array<i32>} : memref<1000x128xf32, #tpu.memory_space<vmem>>, vector<1000x128xf32>,
    return
  }
  func.func @transform_0(%arg0: i32) -> (i32, i32) {
    %c0_i32 = arith.constant 0 : i32
    %c0_i32_0 = arith.constant 0 : i32
    return %arg0, %c0_i32 : i32, i32
  }
  func.func @transform_1(%arg0: i32) -> (i32, i32) {
    %c0_i32 = arith.constant 0 : i32
    %c0_i32_0 = arith.constant 0 : i32
    %c0_i32_1 = arith.constant 0 : i32
    return %c0_i32, %c0_i32_0 : i32, i32
  }
  func.func @transform_2(%arg0: i32) -> (i32, i32) {
    %c0_i32 = arith.constant 0 : i32
    %c0_i32_0 = arith.constant 0 : i32
    %c0_i32_1 = arith.constant 0 : i32
    return %c0_i32, %c0_i32_0 : i32, i32
  }
  func.func @transform_3(%arg0: i32) -> (i32, i32) {
    %c0_i32 = arith.constant 0 : i32
    %c0_i32_0 = arith.constant 0 : i32
    return %arg0, %c0_i32 : i32, i32
  }
}

</mosaic_0001>

<sc_bundles>
// kernel: kernel.13.cloned.1.call-start
scs
__scs_entry_jumppad:
0x0: {  	(pc) =	sbr.rel $0x88, $3  }
0x1: {  	(tag) =	ssettag $0x0;
	lr =	simm.s32 $0x1  }
0x2: {  	[smem:$0x3F96] =	sst lr;
	_ =	strace $0xD0000000  }
0x3: {  	_ = 	snop  }
0x4: {  	_ = 	snop  }
0x5: {  	_ = 	snop  }
0x6: {  	_ = 	snop  }
0x7: {  	_ = 	snop  }
__scs_overlays_trampoline_lowered:
0x8: {  	[smem:$0x3FA5] =	sst s0  }
0x9: {  	[smem:$0x3FA6] =	sst s1  }
0xa: {  	[smem:$0x3FA7] =	sst s2  }
0xb: {  	[smem:$0x3FA8] =	sst s3  }
0xc: {  	[smem:$0x3FA9] =	sst s4  }
0xd: {  	[smem:$0x3FAA] =	sst s5  }
0xe: {  	[smem:$0x3FAB] =	sst s6  }
0xf: {  	[smem:$0x3FAC] =	sst s7  }
0x10: {  	[smem:$0x3FAD] =	sst s8  }
0x11: {  	[smem:$0x3FAE] =	sst s9;
	s0 =	simm.s32 @!p0 $0x0  }
0x12: {  	s1 =	sld [smem:$0x3F94];
	s0 =	simm.s32 @p0 $0x1  }
0x13: {  	[smem:$0x3FAF] =	sst s0;
	s0 =	simm.s32 @!p1 $0x0  }
0x14: {  	s2 =	sld [smem:$0x3F93];
	s0 =	simm.s32 @p1 $0x1  }
0x15: {  	[smem:$0x3FB0] =	sst s0;
	s0 =	simm.s32 @!p2 $0x0  }
0x16: {  	s3 =	sld [smem:$0x3FDB];
	s0 =	simm.s32 @p2 $0x1  }
0x17: {  	s4 =	simm.s32 $0x1BF5;
	[smem:$0x3FB2] =	sst s0  }
0x18: {  	s0 =	sld [smem:$0x3F95];
	_ =	swait.ge [sflag:s4], $0x0  }
0x19: {  	s7 =	sld [smem:$0x3F96]  }
0x1a: {  	s8 =	sadd.s32 $0xFFFFE003, lr  }
0x1b: {  	s9 =	sadd.s32 $0xFFFFFEF7, lr;
	s5 =	simm.s32 $0xFFFFFFFF;
	p2 =	slt.u32 s8, $0xFFFFF086  }
0x1c: {  	p1 =	slt.u32 s9, $0xF7A;
	s5 =	simm.s32 @!p2 $0x0  }
0x1d: {  	s5 =	simm.s32 @p1 $0x1;
	p0 =	seq.s32 s7, s2  }
0x1e: {  	s7 =	smul.u32 @!p0 $0xF7A, s2;
	p2 =	seq.s32 @!p0 s5, $0x0  }
0x1f: {  	s9 =	smul.u32 $0xF7A, s1;
	s8 =	simm.s32 @!p0 $0x1BF5;
	p2 =	por !p2, p0  }
0x20: {  	[sflag:s8] =	ssyncset.s32 @!p0 $0xFFFFF086;
	s6 =	sadd.s32 @!p0 s3, s7;
	s7 =	simm.s32 @!p0 $0x108  }
0x21: {  	s3 =	sadd.s32 s3, s9;
	s6 =	sadd.s32 @!p0 $0x88, s6;
	s7 =	simm.s32 @p2 $0x1082  }
0x22: {  	[simem:s7], [sflag:s8] =	dma.local @!p0 [hbm:s6], $0xF7A  }
0x23: {  	s9 =	sor.u32 $0xD0000000, s2;
	s6 =	simm.s32 $0x108;
	_ =	swait.ge @!p0 [sflag:s8], $0x0  }
0x24: {  	s3 =	sadd.s32 $0x88, s3;
	s6 =	simm.s32 @!p1 $0x1082;
	[sflag:s4] =	ssyncset.s32 $0xFFFFF086  }
0x25: {  	[simem:s6], [sflag:s4] =	dma.local [hbm:s3], $0xF7A  }
0x26: {  	[smem:$0x3F96] =	sst s1;
	(tag) =	ssettag s2;
	_ =	strace s9  }
0x27: {  	s1 =	sld [smem:$0x3FA6]  }
0x28: {  	s2 =	sld [smem:$0x3FA7]  }
0x29: {  	s4 =	sld [smem:$0x3FA9]  }
0x2a: {  	p0 =	seq.s32 s5, $0x0;
	s5 =	sld [smem:$0x3FAA]  }
0x2b: {  	s6 =	sld [smem:$0x3FAB]  }
0x2c: {  	s7 =	sld [smem:$0x3FAC]  }
0x2d: {  	s3 =	simm.s32 $0x108;
	s8 =	sld [smem:$0x3FAD]  }
0x2e: {  	s3 =	simm.s32 @!p0 $0x1082;
	s9 =	sld [smem:$0x3FAE]  }
0x2f: {  	lr =	sadd.s32 s0, s3;
	s0 =	sld [smem:$0x3FA5]  }
0x30: {  	s3 =	sld [smem:$0x3FA8]  }
0x31: {  	[smem:$0x3FB1] =	sst s10  }
0x32: {  	s10 =	sld [smem:$0x3FAF];
	_ =	sdelay $0x3  }
0x33: {  	p0 =	seq.s32 s10, $0x1;
	s10 =	sld [smem:$0x3FB1];
	_ =	sdelay $0x3  }
0x34: {  	[smem:$0x3FB1] =	sst s10  }
0x35: {  	s10 =	sld [smem:$0x3FB0];
	_ =	sdelay $0x3  }
0x36: {  	p1 =	seq.s32 s10, $0x1;
	s10 =	sld [smem:$0x3FB1];
	_ =	sdelay $0x3  }
0x37: {  	[smem:$0x3FB1] =	sst s10  }
0x38: {  	s10 =	sld [smem:$0x3FB2]  }
0x39: {  	_ = 	snop;
	(pc) =	sbr.ind lr, $3  }
0x3a: {  	_ = 	snop  }
0x3b: {  	_ = 	snop  }
0x3c: {  	p2 =	seq.s32 s10, $0x1;
	s10 =	sld [smem:$0x3FB1]  }
0x3d: {  	_ =	shalt  }
0x3e: {  	_ =	shalt  }
0x3f: {  	_ =	shalt  }
0x40: {  	_ =	shalt  }
0x41: {  	_ =	shalt  }
0x42: {  	_ =	shalt  }
0x43: {  	_ =	shalt  }
0x44: {  	_ =	shalt  }
0x45: {  	_ =	shalt  }
0x46: {  	_ =	shalt  }
0x47: {  	_ =	shalt  }
0x48: {  	_ =	shalt  }
0x49: {  	_ =	shalt  }
0x4a: {  	_ =	shalt  }
0x4b: {  	_ =	shalt  }
0x4c: {  	_ =	shalt  }
0x4d: {  	_ =	shalt  }
0x4e: {  	_ =	shalt  }
0x4f: {  	_ =	shalt  }
0x50: {  	_ =	shalt  }
0x51: {  	_ =	shalt  }
0x52: {  	_ =	shalt  }
0x53: {  	_ =	shalt  }
0x54: {  	_ =	shalt  }
0x55: {  	_ =	shalt  }
0x56: {  	_ =	shalt  }
0x57: {  	_ =	shalt  }
0x58: {  	_ =	shalt  }
0x59: {  	_ =	shalt  }
0x5a: {  	_ =	shalt  }
0x5b: {  	_ =	shalt  }
0x5c: {  	_ =	shalt  }
0x5d: {  	_ =	shalt  }
0x5e: {  	_ =	shalt  }
0x5f: {  	_ =	shalt  }
0x60: {  	_ =	shalt  }
0x61: {  	_ =	shalt  }
0x62: {  	_ =	shalt  }
0x63: {  	_ =	shalt  }
0x64: {  	_ =	shalt  }
0x65: {  	_ =	shalt  }
0x66: {  	_ =	shalt  }
0x67: {  	_ =	shalt  }
0x68: {  	_ =	shalt  }
0x69: {  	_ =	shalt  }
0x6a: {  	_ =	shalt  }
0x6b: {  	_ =	shalt  }
0x6c: {  	_ =	shalt  }
0x6d: {  	_ =	shalt  }
0x6e: {  	_ =	shalt  }
0x6f: {  	_ =	shalt  }
0x70: {  	_ =	shalt  }
0x71: {  	_ =	shalt  }
0x72: {  	_ =	shalt  }
0x73: {  	_ =	shalt  }
0x74: {  	_ =	shalt  }
0x75: {  	_ =	shalt  }
0x76: {  	_ =	shalt  }
0x77: {  	_ =	shalt  }
0x78: {  	_ =	shalt  }
0x79: {  	_ =	shalt  }
0x7a: {  	_ =	shalt  }
0x7b: {  	_ =	shalt  }
0x7c: {  	_ =	shalt  }
0x7d: {  	_ =	shalt  }
0x7e: {  	_ =	shalt  }
0x7f: {  	_ =	shalt  }
0x80: {  	_ =	shalt  }
0x81: {  	_ =	shalt  }
0x82: {  	_ =	shalt  }
0x83: {  	_ =	shalt  }
0x84: {  	_ =	shalt  }
0x85: {  	_ =	shalt  }
0x86: {  	_ =	shalt  }
0x87: {  	_ =	shalt  }
.Lfunc_end0:
.L_simem_size_0:
called_computation_lowered:
.L_overlay_start_0:
0x88: {  	s2 =	sld [smem:$0x3FD9]  }
0x89: {  	s3 =	sld [smem:$0x3FFE];
	_ =	sdelay $0x1  }
0x8a: {  	s1 =	srdreg.scid  }
0x8b: {  	s0 =	sand.u32 $0x1, s1  }
0x8c: {  	s16 =	sshll.u32 s0, $0xA;
	s2 =	sadd.s32 s3, s2  }
0x8d: {  	s2 =	sadd.s32 s2, s16  }
0x8e: {  	[smem:$0x3FBD] =	sst s2  }
0x8f: {  	_ = 	snop  }
0x90: {  	(tm) =	ssettm $0x1  }
0x91: {  	s17 =	sld [smem:$0x3FFB];
	_ =	sdelay $0x3  }
0x92: {  	_ =	strace s17  }
0x93: {  	s2 =	sld [smem:$0x3FFC];
	_ =	sdelay $0x3  }
0x94: {  	_ =	strace s2  }
0x95: {  	s2 =	sld [smem:$0x3FFD];
	_ =	sdelay $0x3  }
0x96: {  	_ =	strace s2  }
0x97: {  	_ =	strace $0x8FFFFFFF  }
0x98: {  	s18 =	sld [smem:$0x3FDB];
	_ =	sdelay $0x1  }
0x99: {  	s19 =	simm.s32 $_scs_section_size  }
0x9a: {  	s4 =	simm.s32 $_size__tile_overlayer_lowered;
	s5 =	simm.s32 $_tile_overlayer_lowered  }
0x9b: {  	s22 =	simm.s32 $0x1BFF;
	s21 =	sshll.u32 s5, $0x1;
	s2 =	sadd.s32 s19, s18  }
0x9c: {  	s6 =	simm.s32 $0x0;
	s20 =	sshll.u32 s4, $0x1;
	s4 =	sadd.s32 s21, s2  }
0x9d: {  	[timem:s6], [sflag:s22] =	dma.local [hbm:s4], s20  }
0x9e: {  	_ =	swait.ge [sflag:s22], s20  }
0x9f: {  	s3 =	ssub.s32 $0x0, s20;
	[sflag:s22] =	ssyncset.done $0x0  }
0xa0: {  	[sflag:s22] =	ssyncadd.s32 s3;
	_ =	sdelay $0x1  }
0xa1: {  	s23 =	simm.s32 $0x1B8B  }
0xa2: {  	_ =	swait.ge [sflag:s23], $0x1  }
0xa3: {  	[sflag:s23] =	ssyncset.done $0x0  }
0xa4: {  	s25 =	simm.s32 $0x1B8E;
	s24 =	sld [smem:$0x3FFE];
	[sflag:s23] =	ssyncadd.s32 $0xFFFFFFFF  }
0xa5: {  	s26 =	simm.s32 $execute0_lowered;
	[smem:$0x3FD2] =	sst s25  }
0xa6: {  	s4 =	sshll.u32 s26, $0x1;
	_ =	strace $0x80000046;
	[dreg:$0x1] =	wrdreg $0xFFFFFFFF  }
0xa7: {  	s28 =	simm.s32 $_size_execute0_lowered;
	s2 =	sadd.s32 s2, s4;
	[dreg:$0x0] =	wrdreg $0x0  }
0xa8: {  	s4 =	sshll.u32 s28, $0x1;
	[dreg:$0x2] =	wrdreg s2  }
0xa9: {  	[dreg:$0x3] =	wrdreg s4  }
0xaa: {  	[dreg:$0x4] =	wrdreg $0xC0  }
0xab: {  	_ =	task [dreg:s6], $0x5FFFF  }
0xac: {  	[dreg:$0x1] =	wrdreg $0xFFFFFFFF  }
0xad: {  	[dreg:$0x0] =	wrdreg $0x60  }
0xae: {  	[dreg:$0x2] =	wrdreg s24  }
0xaf: {  	[dreg:$0x3] =	wrdreg $0x81000  }
0xb0: {  	[dreg:$0x4] =	wrdreg $0x9  }
0xb1: {  	_ =	task.clear_ibuf [dreg:s6], $0x5FFFF;
	_ =	strace $0x90000046  }
0xb2: {  	s29 =	simm.s32 $0x9;
	_ =	strace $0x80000048  }
0xb3: {  	_ =	swait.ge [sflag:s29], $0x1  }
0xb4: {  	[sflag:s29] =	ssyncadd.s32 $0xFFFFFFFF  }
0xb5: {  	_ =	strace $0x90000048  }
0xb6: {  	_ =	sfence  }
0xb7: {  	s30 =	sld [smem:$0x0];
	_ =	sdelay $0x2  }
0xb8: {  	s31 =	sshll.u32 s1, $0xD;
	s1 =	sshrl.u32 s1, $0x2  }
0xb9: {  	s3 =	sand.u32 $0x4000, s31;
	s1 =	sadd.s32 s1, s30  }
0xba: {  	s0 =	sor.u32 s3, s0;
	s1 =	sshll.u32 s1, $0x11  }
0xbb: {  	s0 =	sor.u32 s1, s0  }
0xbc: {  	s0 =	sadd.s32 $0x8F2B, s0  }
0xbd: {  	[sflag:s0] =	ssyncadd.remote.s32 $0x1  }
0xbe: {  	_ =	sfence.sel $0xFFFF  }
0xbf: {  	[dreg:$0x0] =	wrdreg $0xFFFFFFFF;
	(pc) =	sbr.abs _section_cstart, $3  }
0xc0: {  	[dreg:$0x1] =	wrdreg $0xFFFFFFFF  }
0xc1: {  	_ =	task.clear_ibuf [dreg:s6], $0x2FFFF;
	_ =	strace $0x9FFFFFFF  }
0xc2: {  	(tm) =	ssettm $0x7FFFFFFF  }
0xc3: {  	_ =	shalt  }
tec
execute0_lowered:
.L_overlay_start_1:
0x0: {  	(tag) =	ssettag $0x1  }
0x1: {  	s4 =	rddreg [dreg:$0x0]  }
0x2: {  	s1 =	rddreg [dreg:$0x1]  }
0x3: {  	s0 =	rddreg [dreg:$0x2];
	s3 =	simm.s32 $0x0  }
0x4: {  	s5 =	srdreg.scid;
	s2 =	stileid.u32;
	s13 =	simm.s32 $0x1  }
0x5: {  	s14 =	simm.s32 $0x80;
	s15 =	simm.s32 $0x100;
	s6 =	smul.u32 $0x50000, s2  }
0x6: {  	s19 =	simm.s32 $0x0;
	s5 =	sand.u32 $0x1, s5;
	s16 =	smul.u32 $0x2800, s2  }
0x7: {  	[smem:$0x7FF] =	sst s3;
	s11 =	sadd.s32 $0x5600, s4;
	s7 =	smul.u32 $0x28000, s5  }
0x8: {  	s31 =	sshll.u32 s2, $0x6;
	_ =	strace $0x80000047;
	s5 =	ssub.s32 $0x2, s5  }
0x9: {  	s8 =	sshrl.u32 s5, $0x1;
	s6 =	sshrl.u32 s6, $0x2;
	s9 =	sadd.s32 s7, s4  }
0xa: {  	s5 =	ssub.s32 s5, s8;
	s4 =	sadd.s32 s6, s1;
	s30 =	sadd.s32 s16, s7  }
0xb: {  	s17 =	sadd.s32 $0xF600, s9;
	s5 =	smax.u32 s5, $0x1;
	s6 =	sadd.s32 $0x4000, s4  }
0xc: {  	s7 =	sadd.s32 $0x8000, s4;
	s10 =	sor.u32 $0x80, s30;
	s8 =	sadd.s32 $0xC000, s4  }
0xd: {  	s12 =	sshrl.u32 s30, $0x3;
	s9 =	sadd.s32 $0x10000, s4;
	s18 =	sshrl.u32 s4, $0x3  }
0xe: {  	vm0 =	vcmask $0x300;
	v0 =	vimm.f32 $0.0e+00;
	s10 =	sshrl.u32 s10, $0x3;
	s16 =	sadd.s32 s16, s17;
	s17 =	sor.u32 $0x1C01, s31  }
0xf: {  	v1 =	vsel vm0, $0x3F800000, v0;
	s10 =	sadd.s32 s10, s11;
	s11 =	sadd.s32 s12, s11;
	s12 =	simm.s32 $0x4100  }
.LBB2_1:
0x10: {  	s20 =	simm.s32 $0x200;
	s21 =	simm.s32 $0x0  }
.LBB2_2:
0x11: {  	p0 =	sne.s32 s20, $0xFE00;
	[tilespmem:s21+$0x100] =	vst v1;
	s22 =	smov.u32 s20;
	s20 =	sadd.s32 $0x200, s20  }
.Ltmp0:
0x12: {  	[tilespmem:s21+$0x4100] =	vst v0;
	(pc) =	sbr.rel @p0 .LBB2_2-.Ltmp0, $2  }
0x13: {  	_ =	sdelay $0x2  }
0x14: {  	s21 =	sshra.s32 s22, $0x2  }
0x15: {  	[tilespmem:s21+$0x100] =	vst v1  }
0x16: {  	[tilespmem:s21+$0x4100] =	vst v0  }
0x17: {  	[spmem:s4] =	stream.linear.scatter [tilespmem:s12], [sflag:$0x1], $0x4000, $0x38;
	[tilespmem:$0xA900] =	vst v63  }
0x18: {  	_ =	swait.ge [sflag:s13], $0x4000  }
0x19: {  	[sflag:s13] =	ssyncset.done $0x0  }
0x1a: {  	[sflag:s13] =	ssyncadd.s32 $0xFFFFC000  }
0x1b: {  	[spmem:s6] =	stream.linear.scatter [tilespmem:s12], [sflag:$0x1], $0x4000, $0x38;
	[tilespmem:$0xA900] =	vst v63  }
0x1c: {  	_ =	swait.ge [sflag:s13], $0x4000  }
0x1d: {  	[sflag:s13] =	ssyncset.done $0x0  }
0x1e: {  	[sflag:s13] =	ssyncadd.s32 $0xFFFFC000  }
0x1f: {  	[spmem:s7] =	stream.linear.scatter [tilespmem:s12], [sflag:$0x1], $0x4000, $0x38;
	[tilespmem:$0xA900] =	vst v63  }
0x20: {  	_ =	swait.ge [sflag:s13], $0x4000  }
0x21: {  	[sflag:s13] =	ssyncset.done $0x0  }
0x22: {  	[sflag:s13] =	ssyncadd.s32 $0xFFFFC000  }
0x23: {  	[spmem:s8] =	stream.linear.scatter [tilespmem:s12], [sflag:$0x1], $0x4000, $0x38;
	[tilespmem:$0xA900] =	vst v63  }
0x24: {  	_ =	swait.ge [sflag:s13], $0x4000  }
0x25: {  	[sflag:s13] =	ssyncset.done $0x0  }
0x26: {  	[sflag:s13] =	ssyncadd.s32 $0xFFFFC000  }
0x27: {  	[spmem:s9] =	stream.linear.scatter [tilespmem:s12], [sflag:$0x1], $0x4000, $0x38;
	[tilespmem:$0xA900] =	vst v63  }
0x28: {  	_ =	swait.ge [sflag:s13], $0x4000  }
0x29: {  	[sflag:s13] =	ssyncset.done $0x0  }
0x2a: {  	[sflag:s13] =	ssyncadd.s32 $0xFFFFC000  }
0x2b: {  	s20 =	sadd.s32 $0x0, s11;
	[bflag:$0x0] =	sbarrier.arrive $0xFFFF  }
0x2c: {  	[tilespmem:s3], [sflag:$0x1] =	stream.linear.gather [hbm4b:s20+s3], $0x80, $0x38;
	[tilespmem:$0xA900] =	vst v63  }
0x2d: {  	_ =	swait.ge [sflag:s13], $0x80  }
0x2e: {  	[sflag:s13] =	ssyncset.done $0x0  }
0x2f: {  	[sflag:s13] =	ssyncadd.s32 $0xFFFFFF80  }
0x30: {  	[spmem:s1] =	stream.indirect.scatter.add.f32 [tilespmem:s15], [sflag:$0x1], $0x10, s3, s14, $0xb8;
	[tilespmem:$0xA900] =	vst v63  }
0x31: {  	_ =	swait.ge [sflag:s13], $0x800  }
0x32: {  	[sflag:s13] =	ssyncset.done $0x0  }
0x33: {  	s31 =	sadd.s32 $0x0, s10;
	[sflag:s13] =	ssyncadd.s32 $0xFFFFF800  }
0x34: {  	[tilespmem:s14], [sflag:$0x1] =	stream.linear.gather [hbm4b:s31+s3], $0x80, $0x38;
	[tilespmem:$0xA900] =	vst v63  }
0x35: {  	_ =	swait.ge [sflag:s13], $0x80  }
0x36: {  	[sflag:s13] =	ssyncset.done $0x0  }
0x37: {  	[sflag:s13] =	ssyncadd.s32 $0xFFFFFF80  }
0x38: {  	[spmem:s1] =	stream.indirect.scatter.add.f32 [tilespmem:s15], [sflag:$0x1], $0x10, s14, s14, $0xb8;
	[tilespmem:$0xA900] =	vst v63  }
0x39: {  	_ =	swait.ge [sflag:s13], $0x800  }
0x3a: {  	s21 =	simm.s32 $0x40;
	s20 =	simm.s32 $0x20;
	[sflag:s13] =	ssyncset.done $0x0  }
.LBB2_4:
0x3b: {  	s22 =	sadd.s32 s20, s11  }
0x3c: {  	[sflag:s13] =	ssyncadd.s32 $0xFFFFF800;
	s23 =	smov.u32 s21;
	s24 =	sadd.s32 $0x20, s21  }
0x3d: {  	[tilespmem:s3], [sflag:$0x1] =	stream.linear.gather [hbm4b:s22+s3], $0x80, $0x38;
	[tilespmem:$0xA900] =	vst v63  }
0x3e: {  	p0 =	sne.s32 s21, $0x4E0;
	_ =	swait.ge [sflag:s13], $0x80  }
0x3f: {  	[sflag:s13] =	ssyncset.done $0x0  }
0x40: {  	[sflag:s13] =	ssyncadd.s32 $0xFFFFFF80  }
0x41: {  	[spmem:s1] =	stream.indirect.scatter.add.f32 [tilespmem:s15], [sflag:$0x1], $0x10, s3, s14, $0xb8;
	[tilespmem:$0xA900] =	vst v63  }
0x42: {  	_ =	swait.ge [sflag:s13], $0x800  }
0x43: {  	[sflag:s13] =	ssyncset.done $0x0  }
0x44: {  	s21 =	sadd.s32 s20, s10;
	s20 =	smov.u32 s23;
	[sflag:s13] =	ssyncadd.s32 $0xFFFFF800  }
0x45: {  	[tilespmem:s14], [sflag:$0x1] =	stream.linear.gather [hbm4b:s21+s3], $0x80, $0x38;
	[tilespmem:$0xA900] =	vst v63  }
0x46: {  	_ =	swait.ge [sflag:s13], $0x80  }
.Ltmp1:
0x47: {  	[sflag:s13] =	ssyncset.done $0x0;
	(pc) =	sbr.rel @p0 .LBB2_4-.Ltmp1, $4  }
0x48: {  	[sflag:s13] =	ssyncadd.s32 $0xFFFFFF80  }
0x49: {  	[spmem:s1] =	stream.indirect.scatter.add.f32 [tilespmem:s15], [sflag:$0x1], $0x10, s14, s14, $0xb8;
	[tilespmem:$0xA900] =	vst v63  }
0x4a: {  	_ =	swait.ge [sflag:s13], $0x800  }
0x4b: {  	s21 =	smov.u32 s24;
	[sflag:s13] =	ssyncset.done $0x0  }
0x4c: {  	s21 =	sadd.s32 s20, s11;
	[sflag:s13] =	ssyncadd.s32 $0xFFFFF800  }
0x4d: {  	[tilespmem:s3], [sflag:$0x1] =	stream.linear.gather [hbm4b:s21+s3], $0x80, $0x38;
	[tilespmem:$0xA900] =	vst v63  }
0x4e: {  	_ =	swait.ge [sflag:s13], $0x80  }
0x4f: {  	[sflag:s13] =	ssyncset.done $0x0  }
0x50: {  	[sflag:s13] =	ssyncadd.s32 $0xFFFFFF80  }
0x51: {  	[spmem:s1] =	stream.indirect.scatter.add.f32 [tilespmem:s15], [sflag:$0x1], $0x10, s3, s14, $0xb8;
	[tilespmem:$0xA900] =	vst v63  }
0x52: {  	_ =	swait.ge [sflag:s13], $0x800  }
0x53: {  	[sflag:s13] =	ssyncset.done $0x0  }
0x54: {  	s31 =	sadd.s32 s20, s10;
	[sflag:s13] =	ssyncadd.s32 $0xFFFFF800  }
0x55: {  	[tilespmem:s14], [sflag:$0x1] =	stream.linear.gather [hbm4b:s31+s3], $0x80, $0x38;
	[tilespmem:$0xA900] =	vst v63  }
0x56: {  	_ =	swait.ge [sflag:s13], $0x80  }
0x57: {  	[sflag:s13] =	ssyncset.done $0x0  }
0x58: {  	[sflag:s13] =	ssyncadd.s32 $0xFFFFFF80  }
0x59: {  	[spmem:s1] =	stream.indirect.scatter.add.f32 [tilespmem:s15], [sflag:$0x1], $0x10, s14, s14, $0xb8;
	[tilespmem:$0xA900] =	vst v63  }
0x5a: {  	_ =	swait.ge [sflag:s13], $0x800  }
0x5b: {  	s19 =	sadd.s32 $0x1, s19;
	[sflag:s13] =	ssyncset.done $0x0  }
0x5c: {  	p0 =	sne.s32 s19, s5;
	[sflag:s13] =	ssyncadd.s32 $0xFFFFF800  }
.Ltmp2:
0x5d: {  	[bflag:$0x0] =	sbarrier.arrive $0xFFFF;
	(pc) =	sbr.rel @p0 .LBB2_1-.Ltmp2, $4  }
0x5e: {  	[hbm:s16], [sflag:s17] =	dma.local [spmem:s18], $0x2800  }
0x5f: {  	_ =	swait.ge [sflag:s13], $0x2800  }
0x60: {  	[sflag:s13] =	ssyncset.done $0x0  }
0x61: {  	[sflag:s13] =	ssyncadd.s32 $0xFFFFD800  }
0x62: {  	_ =	sfence.sel $0x180000  }
0x63: {  	[bflag:$0x0] =	sbarrier.arrive $0xFFFF  }
0x64: {  	p0 =	sne.s32 s2, $0x0;
	_ =	strace $0x90000047  }
0x65: {  	s0 =	sadd.s32 @!p0 $0x100000, s0;
	[bflag:$0x2] =	sbarrier.arrive $0xFFFF  }
0x66: {  	[sflag:s0] =	ssyncadd.tile.s32 @!p0 $0x1;
	_ =	shalt  }
.Lfunc_end2:
_tile_overlayer_lowered:
.L_overlay_start_2:
0x67: {  	(tag) =	ssettag $0x2  }
0x68: {  	s0 =	rddreg [dreg:$0x0];
	s2 =	stileid.u32  }
0x69: {  	s1 =	rddreg [dreg:$0x1];
	p0 =	sne.s32 s2, $0x0  }
0x6a: {  	s3 =	rddreg [dreg:$0x2];
	[bflag:$0x3] =	sbarrier.arrive $0xFFFF;
	s2 =	simm.s32 @!p0 $0x1C01  }
0x6b: {  	[timem:s3], [sflag:s2] =	dma.local @!p0 [hbm:s0], s1  }
0x6c: {  	s0 =	simm.s32 @!p0 $0x1  }
0x6d: {  	_ =	swait.ge @!p0 [sflag:s0], s1  }
0x6e: {  	s1 =	ssub.s32 @!p0 $0x0, s1;
	[sflag:s0] =	ssyncset.done @!p0 $0x0  }
0x6f: {  	[sflag:s0] =	ssyncadd.s32 @!p0 s1  }
0x70: {  	[bflag:$0x3] =	sbarrier.arrive $0xFFFF  }
0x71: {  	_ =	shalt  }

// kernel: kernel.16.cloned.1.call-start
scs
__scs_entry_jumppad:
0x0: {  	(pc) =	sbr.rel $0x88, $3  }
0x1: {  	(tag) =	ssettag $0x0;
	lr =	simm.s32 $0x1  }
0x2: {  	[smem:$0x3F96] =	sst lr;
	_ =	strace $0xD0000000  }
0x3: {  	_ = 	snop  }
0x4: {  	_ = 	snop  }
0x5: {  	_ = 	snop  }
0x6: {  	_ = 	snop  }
0x7: {  	_ = 	snop  }
__scs_overlays_trampoline_lowered:
0x8: {  	[smem:$0x3FA5] =	sst s0  }
0x9: {  	[smem:$0x3FA6] =	sst s1  }
0xa: {  	[smem:$0x3FA7] =	sst s2  }
0xb: {  	[smem:$0x3FA8] =	sst s3  }
0xc: {  	[smem:$0x3FA9] =	sst s4  }
0xd: {  	[smem:$0x3FAA] =	sst s5  }
0xe: {  	[smem:$0x3FAB] =	sst s6  }
0xf: {  	[smem:$0x3FAC] =	sst s7  }
0x10: {  	[smem:$0x3FAD] =	sst s8  }
0x11: {  	[smem:$0x3FAE] =	sst s9;
	s0 =	simm.s32 @!p0 $0x0  }
0x12: {  	s1 =	sld [smem:$0x3F94];
	s0 =	simm.s32 @p0 $0x1  }
0x13: {  	[smem:$0x3FAF] =	sst s0;
	s0 =	simm.s32 @!p1 $0x0  }
0x14: {  	s2 =	sld [smem:$0x3F93];
	s0 =	simm.s32 @p1 $0x1  }
0x15: {  	[smem:$0x3FB0] =	sst s0;
	s0 =	simm.s32 @!p2 $0x0  }
0x16: {  	s3 =	sld [smem:$0x3FDB];
	s0 =	simm.s32 @p2 $0x1  }
0x17: {  	s4 =	simm.s32 $0x1BF5;
	[smem:$0x3FB2] =	sst s0  }
0x18: {  	s0 =	sld [smem:$0x3F95];
	_ =	swait.ge [sflag:s4], $0x0  }
0x19: {  	s7 =	sld [smem:$0x3F96]  }
0x1a: {  	s8 =	sadd.s32 $0xFFFFE003, lr  }
0x1b: {  	s9 =	sadd.s32 $0xFFFFFEF7, lr;
	s5 =	simm.s32 $0xFFFFFFFF;
	p2 =	slt.u32 s8, $0xFFFFF086  }
0x1c: {  	p1 =	slt.u32 s9, $0xF7A;
	s5 =	simm.s32 @!p2 $0x0  }
0x1d: {  	s5 =	simm.s32 @p1 $0x1;
	p0 =	seq.s32 s7, s2  }
0x1e: {  	s7 =	smul.u32 @!p0 $0xF7A, s2;
	p2 =	seq.s32 @!p0 s5, $0x0  }
0x1f: {  	s9 =	smul.u32 $0xF7A, s1;
	s8 =	simm.s32 @!p0 $0x1BF5;
	p2 =	por !p2, p0  }
0x20: {  	[sflag:s8] =	ssyncset.s32 @!p0 $0xFFFFF086;
	s6 =	sadd.s32 @!p0 s3, s7;
	s7 =	simm.s32 @!p0 $0x108  }
0x21: {  	s3 =	sadd.s32 s3, s9;
	s6 =	sadd.s32 @!p0 $0x88, s6;
	s7 =	simm.s32 @p2 $0x1082  }
0x22: {  	[simem:s7], [sflag:s8] =	dma.local @!p0 [hbm:s6], $0xF7A  }
0x23: {  	s9 =	sor.u32 $0xD0000000, s2;
	s6 =	simm.s32 $0x108;
	_ =	swait.ge @!p0 [sflag:s8], $0x0  }
0x24: {  	s3 =	sadd.s32 $0x88, s3;
	s6 =	simm.s32 @!p1 $0x1082;
	[sflag:s4] =	ssyncset.s32 $0xFFFFF086  }
0x25: {  	[simem:s6], [sflag:s4] =	dma.local [hbm:s3], $0xF7A  }
0x26: {  	[smem:$0x3F96] =	sst s1;
	(tag) =	ssettag s2;
	_ =	strace s9  }
0x27: {  	s1 =	sld [smem:$0x3FA6]  }
0x28: {  	s2 =	sld [smem:$0x3FA7]  }
0x29: {  	s4 =	sld [smem:$0x3FA9]  }
0x2a: {  	p0 =	seq.s32 s5, $0x0;
	s5 =	sld [smem:$0x3FAA]  }
0x2b: {  	s6 =	sld [smem:$0x3FAB]  }
0x2c: {  	s7 =	sld [smem:$0x3FAC]  }
0x2d: {  	s3 =	simm.s32 $0x108;
	s8 =	sld [smem:$0x3FAD]  }
0x2e: {  	s3 =	simm.s32 @!p0 $0x1082;
	s9 =	sld [smem:$0x3FAE]  }
0x2f: {  	lr =	sadd.s32 s0, s3;
	s0 =	sld [smem:$0x3FA5]  }
0x30: {  	s3 =	sld [smem:$0x3FA8]  }
0x31: {  	[smem:$0x3FB1] =	sst s10  }
0x32: {  	s10 =	sld [smem:$0x3FAF];
	_ =	sdelay $0x3  }
0x33: {  	p0 =	seq.s32 s10, $0x1;
	s10 =	sld [smem:$0x3FB1];
	_ =	sdelay $0x3  }
0x34: {  	[smem:$0x3FB1] =	sst s10  }
0x35: {  	s10 =	sld [smem:$0x3FB0];
	_ =	sdelay $0x3  }
0x36: {  	p1 =	seq.s32 s10, $0x1;
	s10 =	sld [smem:$0x3FB1];
	_ =	sdelay $0x3  }
0x37: {  	[smem:$0x3FB1] =	sst s10  }
0x38: {  	s10 =	sld [smem:$0x3FB2]  }
0x39: {  	_ = 	snop;
	(pc) =	sbr.ind lr, $3  }
0x3a: {  	_ = 	snop  }
0x3b: {  	_ = 	snop  }
0x3c: {  	p2 =	seq.s32 s10, $0x1;
	s10 =	sld [smem:$0x3FB1]  }
0x3d: {  	_ =	shalt  }
0x3e: {  	_ =	shalt  }
0x3f: {  	_ =	shalt  }
0x40: {  	_ =	shalt  }
0x41: {  	_ =	shalt  }
0x42: {  	_ =	shalt  }
0x43: {  	_ =	shalt  }
0x44: {  	_ =	shalt  }
0x45: {  	_ =	shalt  }
0x46: {  	_ =	shalt  }
0x47: {  	_ =	shalt  }
0x48: {  	_ =	shalt  }
0x49: {  	_ =	shalt  }
0x4a: {  	_ =	shalt  }
0x4b: {  	_ =	shalt  }
0x4c: {  	_ =	shalt  }
0x4d: {  	_ =	shalt  }
0x4e: {  	_ =	shalt  }
0x4f: {  	_ =	shalt  }
0x50: {  	_ =	shalt  }
0x51: {  	_ =	shalt  }
0x52: {  	_ =	shalt  }
0x53: {  	_ =	shalt  }
0x54: {  	_ =	shalt  }
0x55: {  	_ =	shalt  }
0x56: {  	_ =	shalt  }
0x57: {  	_ =	shalt  }
0x58: {  	_ =	shalt  }
0x59: {  	_ =	shalt  }
0x5a: {  	_ =	shalt  }
0x5b: {  	_ =	shalt  }
0x5c: {  	_ =	shalt  }
0x5d: {  	_ =	shalt  }
0x5e: {  	_ =	shalt  }
0x5f: {  	_ =	shalt  }
0x60: {  	_ =	shalt  }
0x61: {  	_ =	shalt  }
0x62: {  	_ =	shalt  }
0x63: {  	_ =	shalt  }
0x64: {  	_ =	shalt  }
0x65: {  	_ =	shalt  }
0x66: {  	_ =	shalt  }
0x67: {  	_ =	shalt  }
0x68: {  	_ =	shalt  }
0x69: {  	_ =	shalt  }
0x6a: {  	_ =	shalt  }
0x6b: {  	_ =	shalt  }
0x6c: {  	_ =	shalt  }
0x6d: {  	_ =	shalt  }
0x6e: {  	_ =	shalt  }
0x6f: {  	_ =	shalt  }
0x70: {  	_ =	shalt  }
0x71: {  	_ =	shalt  }
0x72: {  	_ =	shalt  }
0x73: {  	_ =	shalt  }
0x74: {  	_ =	shalt  }
0x75: {  	_ =	shalt  }
0x76: {  	_ =	shalt  }
0x77: {  	_ =	shalt  }
0x78: {  	_ =	shalt  }
0x79: {  	_ =	shalt  }
0x7a: {  	_ =	shalt  }
0x7b: {  	_ =	shalt  }
0x7c: {  	_ =	shalt  }
0x7d: {  	_ =	shalt  }
0x7e: {  	_ =	shalt  }
0x7f: {  	_ =	shalt  }
0x80: {  	_ =	shalt  }
0x81: {  	_ =	shalt  }
0x82: {  	_ =	shalt  }
0x83: {  	_ =	shalt  }
0x84: {  	_ =	shalt  }
0x85: {  	_ =	shalt  }
0x86: {  	_ =	shalt  }
0x87: {  	_ =	shalt  }
.Lfunc_end0:
.L_simem_size_0:
called_computation.1_lowered:
.L_overlay_start_0:
0x88: {  	s2 =	sld [smem:$0x3FD9]  }
0x89: {  	s3 =	sld [smem:$0x3FFE];
	_ =	sdelay $0x1  }
0x8a: {  	s1 =	srdreg.scid  }
0x8b: {  	s0 =	sand.u32 $0x1, s1  }
0x8c: {  	s17 =	sshll.u32 s0, $0xA;
	s2 =	sadd.s32 s3, s2  }
0x8d: {  	s2 =	sadd.s32 s2, s17  }
0x8e: {  	[smem:$0x3FBD] =	sst s2  }
0x8f: {  	_ = 	snop  }
0x90: {  	s2 =	sld [smem:$0x3FD0];
	(tm) =	ssettm $0x1  }
0x91: {  	s18 =	sld [smem:$0x3FFB];
	_ =	sdelay $0x3  }
0x92: {  	_ =	strace s18  }
0x93: {  	s3 =	sld [smem:$0x3FFC];
	_ =	sdelay $0x3  }
0x94: {  	_ =	strace s3  }
0x95: {  	s3 =	sld [smem:$0x3FFD];
	_ =	sdelay $0x3  }
0x96: {  	_ =	strace s3  }
0x97: {  	_ =	strace $0x8FFFFFFF  }
0x98: {  	s19 =	sld [smem:$0x3FDB];
	_ =	sdelay $0x1  }
0x99: {  	s4 =	simm.s32 $_scs_section_size  }
0x9a: {  	s5 =	simm.s32 $_size__tile_overlayer_lowered;
	s6 =	simm.s32 $_tile_overlayer_lowered  }
0x9b: {  	s22 =	simm.s32 $0x1BFF;
	s21 =	sshll.u32 s6, $0x1;
	s3 =	sadd.s32 s4, s19  }
0x9c: {  	s7 =	simm.s32 $0x0;
	s20 =	sshll.u32 s5, $0x1;
	s5 =	sadd.s32 s21, s3  }
0x9d: {  	[timem:s7], [sflag:s22] =	dma.local [hbm:s5], s20  }
0x9e: {  	_ =	swait.ge [sflag:s22], s20  }
0x9f: {  	s4 =	ssub.s32 $0x0, s20;
	[sflag:s22] =	ssyncset.done $0x0  }
0xa0: {  	[sflag:s22] =	ssyncadd.s32 s4;
	_ =	sdelay $0x1  }
0xa1: {  	s23 =	simm.s32 $0x1B8B  }
0xa2: {  	_ =	swait.ge [sflag:s23], $0x1  }
0xa3: {  	[sflag:s23] =	ssyncset.done $0x0  }
0xa4: {  	s25 =	simm.s32 $0x1B8E;
	s24 =	sld [smem:$0x3FFE];
	[sflag:s23] =	ssyncadd.s32 $0xFFFFFFFF  }
0xa5: {  	s26 =	simm.s32 $execute0_lowered;
	[smem:$0x3FD2] =	sst s25  }
0xa6: {  	s5 =	sshll.u32 s26, $0x1;
	_ =	strace $0x80000049;
	[dreg:$0x1] =	wrdreg $0xFFFFFFFF  }
0xa7: {  	s28 =	simm.s32 $_size_execute0_lowered;
	s3 =	sadd.s32 s3, s5;
	[dreg:$0x0] =	wrdreg $0x0  }
0xa8: {  	s5 =	sshll.u32 s28, $0x1;
	[dreg:$0x2] =	wrdreg s3  }
0xa9: {  	[dreg:$0x3] =	wrdreg s5  }
0xaa: {  	[dreg:$0x4] =	wrdreg $0xC0  }
0xab: {  	_ =	task [dreg:s7], $0x5FFFF  }
0xac: {  	[dreg:$0x1] =	wrdreg $0xFFFFFFFF  }
0xad: {  	[dreg:$0x0] =	wrdreg $0x60  }
0xae: {  	[dreg:$0x2] =	wrdreg s2  }
0xaf: {  	[dreg:$0x3] =	wrdreg s24  }
0xb0: {  	[dreg:$0x4] =	wrdreg $0x41000  }
0xb1: {  	[dreg:$0x5] =	wrdreg $0x9  }
0xb2: {  	_ =	task.clear_ibuf [dreg:s7], $0x6FFFF;
	_ =	strace $0x90000049  }
0xb3: {  	s29 =	simm.s32 $0x9;
	_ =	strace $0x8000004B  }
0xb4: {  	_ =	swait.ge [sflag:s29], $0x1  }
0xb5: {  	[sflag:s29] =	ssyncadd.s32 $0xFFFFFFFF  }
0xb6: {  	_ =	strace $0x9000004B  }
0xb7: {  	_ =	sfence  }
0xb8: {  	s30 =	sld [smem:$0x0];
	_ =	sdelay $0x2  }
0xb9: {  	s31 =	sshll.u32 s1, $0xD;
	s1 =	sshrl.u32 s1, $0x2  }
0xba: {  	s3 =	sand.u32 $0x4000, s31;
	s1 =	sadd.s32 s1, s30  }
0xbb: {  	s0 =	sor.u32 s3, s0;
	s1 =	sshll.u32 s1, $0x11  }
0xbc: {  	s0 =	sor.u32 s1, s0  }
0xbd: {  	s0 =	sadd.s32 $0x8F2B, s0  }
0xbe: {  	[sflag:s0] =	ssyncadd.remote.s32 $0x1  }
0xbf: {  	_ =	sfence.sel $0xFFFF  }
0xc0: {  	[dreg:$0x0] =	wrdreg $0xFFFFFFFF;
	(pc) =	sbr.abs _section_cstart, $3  }
0xc1: {  	[dreg:$0x1] =	wrdreg $0xFFFFFFFF  }
0xc2: {  	_ =	task.clear_ibuf [dreg:s7], $0x2FFFF;
	_ =	strace $0x9FFFFFFF  }
0xc3: {  	(tm) =	ssettm $0x7FFFFFFF  }
tec
execute0_lowered:
.L_overlay_start_1:
0x0: {  	(tag) =	ssettag $0x1  }
0x1: {  	s1 =	rddreg [dreg:$0x0]  }
0x2: {  	s5 =	rddreg [dreg:$0x1]  }
0x3: {  	s0 =	srdreg.scid;
	s2 =	rddreg [dreg:$0x2]  }
0x4: {  	s4 =	simm.s32 $0x0;
	s3 =	stileid.u32;
	s13 =	simm.s32 $0x100  }
0x5: {  	s14 =	simm.s32 $0x2;
	s15 =	simm.s32 $0x80;
	s9 =	smul.u32 $0x50000, s3  }
0x6: {  	s16 =	simm.s32 $0x1;
	s20 =	simm.s32 $0x0;
	s11 =	smul.u32 $0x500, s3  }
0x7: {  	s6 =	sand.u32 $0x1, s0;
	s0 =	rddreg [dreg:$0x3];
	s18 =	smul.u32 $0x2800, s3  }
0x8: {  	[smem:$0x7FF] =	sst s4;
	s31 =	sshll.u32 s3, $0x6;
	s7 =	smul.u32 $0x5000, s6  }
0x9: {  	s8 =	smul.u32 $0x28000, s6;
	s6 =	ssub.s32 $0x2, s6;
	_ =	strace $0x8000004A  }
0xa: {  	s29 =	sshrl.u32 s6, $0x1;
	s30 =	sshrl.u32 s9, $0x2;
	s10 =	sadd.s32 s7, s5  }
0xb: {  	s8 =	sadd.s32 s8, s5;
	s6 =	ssub.s32 s6, s29;
	s5 =	sadd.s32 s30, s2  }
0xc: {  	s17 =	sadd.s32 $0x69600, s8;
	s6 =	smax.u32 s6, $0x1;
	s7 =	sadd.s32 $0x4000, s5  }
0xd: {  	s8 =	sadd.s32 $0x8000, s5;
	s9 =	sadd.s32 $0xC000, s5;
	s12 =	sadd.s32 s11, s10  }
0xe: {  	s10 =	sadd.s32 $0x10000, s5;
	s19 =	sshrl.u32 s5, $0x3;
	s11 =	sadd.s32 $0x5600, s12  }
0xf: {  	v0 =	vimm.f32 $0.0e+00;
	s12 =	sadd.s32 $0x5F600, s12;
	s17 =	sadd.s32 s18, s17;
	s18 =	sor.u32 $0x1C02, s31  }
.LBB2_1:
0x10: {  	s21 =	sand.u32 $0xFE00, s4  }
0x11: {  	s22 =	sand.u32 $0x70, s4;
	s23 =	sshrl.u32 s21, $0x2  }
0x12: {  	s21 =	simm.s32 $0x40;
	s23 =	sor.u32 s22, s23;
	s22 =	simm.s32 $0x0  }
.LBB2_2:
0x13: {  	p0 =	sne.s32 s21, $0xFFC0  }
0x14: {  	[tilespmem:s23+$0x100] =	vst v0;
	s22 =	sadd.s32 $0x10, s22;
	s23 =	smov.u32 s21;
	s21 =	sadd.s32 $0x40, s21  }
.Ltmp0:
0x15: {  	(pc) =	sbr.rel @p0 .LBB2_2-.Ltmp0, $4  }
0x16: {  	_ = 	snop  }
0x17: {  	s23 =	sand.u32 $0xFE00, s23  }
0x18: {  	s24 =	sand.u32 $0x70, s22;
	s23 =	sshrl.u32 s23, $0x2  }
0x19: {  	s23 =	sor.u32 s24, s23  }
0x1a: {  	[tilespmem:s23+$0x100] =	vst v0  }
0x1b: {  	[spmem:s5] =	stream.linear.scatter [tilespmem:s13], [sflag:$0x2], $0x4000, $0x38;
	[tilespmem:$0x18100] =	vst v63  }
0x1c: {  	_ =	swait.ge [sflag:s14], $0x4000  }
0x1d: {  	[sflag:s14] =	ssyncset.done $0x0  }
0x1e: {  	[sflag:s14] =	ssyncadd.s32 $0xFFFFC000  }
0x1f: {  	[spmem:s7] =	stream.linear.scatter [tilespmem:s13], [sflag:$0x2], $0x4000, $0x38;
	[tilespmem:$0x18100] =	vst v63  }
0x20: {  	_ =	swait.ge [sflag:s14], $0x4000  }
0x21: {  	[sflag:s14] =	ssyncset.done $0x0  }
0x22: {  	[sflag:s14] =	ssyncadd.s32 $0xFFFFC000  }
0x23: {  	[spmem:s8] =	stream.linear.scatter [tilespmem:s13], [sflag:$0x2], $0x4000, $0x38;
	[tilespmem:$0x18100] =	vst v63  }
0x24: {  	_ =	swait.ge [sflag:s14], $0x4000  }
0x25: {  	[sflag:s14] =	ssyncset.done $0x0  }
0x26: {  	[sflag:s14] =	ssyncadd.s32 $0xFFFFC000  }
0x27: {  	[spmem:s9] =	stream.linear.scatter [tilespmem:s13], [sflag:$0x2], $0x4000, $0x38;
	[tilespmem:$0x18100] =	vst v63  }
0x28: {  	_ =	swait.ge [sflag:s14], $0x4000  }
0x29: {  	[sflag:s14] =	ssyncset.done $0x0  }
0x2a: {  	[sflag:s14] =	ssyncadd.s32 $0xFFFFC000  }
0x2b: {  	[spmem:s10] =	stream.linear.scatter [tilespmem:s13], [sflag:$0x2], $0x4000, $0x38;
	[tilespmem:$0x18100] =	vst v63  }
0x2c: {  	_ =	swait.ge [sflag:s14], $0x4000  }
0x2d: {  	[sflag:s14] =	ssyncset.done $0x0  }
0x2e: {  	[sflag:s14] =	ssyncadd.s32 $0xFFFFC000  }
0x2f: {  	s21 =	sadd.s32 $0x0, s12;
	[bflag:$0x0] =	sbarrier.arrive $0xFFFF  }
0x30: {  	[tilespmem:s4], [sflag:$0x2] =	stream.linear.gather [hbm4b:s21+s4], $0x80, $0x38;
	[tilespmem:$0x18100] =	vst v63  }
0x31: {  	_ =	swait.ge [sflag:s14], $0x80  }
0x32: {  	[sflag:s14] =	ssyncset.done $0x0  }
0x33: {  	s31 =	sadd.s32 $0x0, s11;
	[sflag:s14] =	ssyncadd.s32 $0xFFFFFF80  }
0x34: {  	[tilespmem:s15], [sflag:$0x2] =	stream.linear.gather [hbm4b:s31+s4], $0x80, $0x38;
	[tilespmem:$0x18100] =	vst v63  }
0x35: {  	_ =	swait.ge [sflag:s14], $0x80  }
0x36: {  	[sflag:s14] =	ssyncset.done $0x0  }
0x37: {  	[sflag:s14] =	ssyncadd.s32 $0xFFFFFF80  }
0x38: {  	[tilespmem:s13], [sflag:$0x1] =	stream.indirect.gather [hbm4b:s1+s15], $0x80, s4, s15, $0xb8;
	[tilespmem:$0x18100] =	vst v63  }
0x39: {  	_ =	swait.ge [sflag:s16], $0x4000  }
0x3a: {  	[sflag:s16] =	ssyncset.done $0x0  }
0x3b: {  	[sflag:s16] =	ssyncadd.s32 $0xFFFFC000  }
0x3c: {  	[spmem:s2] =	stream.indirect.scatter.add.f32 [tilespmem:s13], [sflag:$0x2], $0x80, s15, s15, $0xb8;
	[tilespmem:$0x18100] =	vst v63  }
0x3d: {  	_ =	swait.ge [sflag:s14], $0x4000  }
0x3e: {  	s22 =	simm.s32 $0x20;
	s21 =	simm.s32 $0x10;
	[sflag:s14] =	ssyncset.done $0x0  }
.LBB2_4:
0x3f: {  	s23 =	sadd.s32 s21, s12  }
0x40: {  	[sflag:s14] =	ssyncadd.s32 $0xFFFFC000;
	s24 =	smov.u32 s22;
	s25 =	sadd.s32 $0x10, s22  }
0x41: {  	[tilespmem:s4], [sflag:$0x2] =	stream.linear.gather [hbm4b:s23+s4], $0x80, $0x38;
	[tilespmem:$0x18100] =	vst v63  }
0x42: {  	p0 =	sne.s32 s22, $0x4F0;
	_ =	swait.ge [sflag:s14], $0x80  }
0x43: {  	[sflag:s14] =	ssyncset.done $0x0  }
0x44: {  	s22 =	sadd.s32 s21, s11;
	s21 =	smov.u32 s24;
	[sflag:s14] =	ssyncadd.s32 $0xFFFFFF80  }
0x45: {  	[tilespmem:s15], [sflag:$0x2] =	stream.linear.gather [hbm4b:s22+s4], $0x80, $0x38;
	[tilespmem:$0x18100] =	vst v63  }
0x46: {  	_ =	swait.ge [sflag:s14], $0x80  }
0x47: {  	[sflag:s14] =	ssyncset.done $0x0  }
0x48: {  	[sflag:s14] =	ssyncadd.s32 $0xFFFFFF80  }
0x49: {  	[tilespmem:s13], [sflag:$0x1] =	stream.indirect.gather [hbm4b:s1+s15], $0x80, s4, s15, $0xb8;
	[tilespmem:$0x18100] =	vst v63  }
0x4a: {  	_ =	swait.ge [sflag:s16], $0x4000  }
.Ltmp1:
0x4b: {  	[sflag:s16] =	ssyncset.done $0x0;
	(pc) =	sbr.rel @p0 .LBB2_4-.Ltmp1, $4  }
0x4c: {  	[sflag:s16] =	ssyncadd.s32 $0xFFFFC000  }
0x4d: {  	[spmem:s2] =	stream.indirect.scatter.add.f32 [tilespmem:s13], [sflag:$0x2], $0x80, s15, s15, $0xb8;
	[tilespmem:$0x18100] =	vst v63  }
0x4e: {  	_ =	swait.ge [sflag:s14], $0x4000  }
0x4f: {  	s22 =	smov.u32 s25;
	[sflag:s14] =	ssyncset.done $0x0  }
0x50: {  	s22 =	sadd.s32 s21, s12;
	[sflag:s14] =	ssyncadd.s32 $0xFFFFC000  }
0x51: {  	[tilespmem:s4], [sflag:$0x2] =	stream.linear.gather [hbm4b:s22+s4], $0x80, $0x38;
	[tilespmem:$0x18100] =	vst v63  }
0x52: {  	_ =	swait.ge [sflag:s14], $0x80  }
0x53: {  	[sflag:s14] =	ssyncset.done $0x0  }
0x54: {  	s31 =	sadd.s32 s21, s11;
	[sflag:s14] =	ssyncadd.s32 $0xFFFFFF80  }
0x55: {  	[tilespmem:s15], [sflag:$0x2] =	stream.linear.gather [hbm4b:s31+s4], $0x80, $0x38;
	[tilespmem:$0x18100] =	vst v63  }
0x56: {  	_ =	swait.ge [sflag:s14], $0x80  }
0x57: {  	[sflag:s14] =	ssyncset.done $0x0  }
0x58: {  	[sflag:s14] =	ssyncadd.s32 $0xFFFFFF80  }
0x59: {  	[tilespmem:s13], [sflag:$0x1] =	stream.indirect.gather [hbm4b:s1+s15], $0x80, s4, s15, $0xb8;
	[tilespmem:$0x18100] =	vst v63  }
0x5a: {  	_ =	swait.ge [sflag:s16], $0x4000  }
0x5b: {  	[sflag:s16] =	ssyncset.done $0x0  }
0x5c: {  	[sflag:s16] =	ssyncadd.s32 $0xFFFFC000  }
0x5d: {  	[spmem:s2] =	stream.indirect.scatter.add.f32 [tilespmem:s13], [sflag:$0x2], $0x80, s15, s15, $0xb8;
	[tilespmem:$0x18100] =	vst v63  }
0x5e: {  	_ =	swait.ge [sflag:s14], $0x4000  }
0x5f: {  	s20 =	sadd.s32 $0x1, s20;
	[sflag:s14] =	ssyncset.done $0x0  }
0x60: {  	p0 =	sne.s32 s20, s6;
	[sflag:s14] =	ssyncadd.s32 $0xFFFFC000  }
.Ltmp2:
0x61: {  	[bflag:$0x0] =	sbarrier.arrive $0xFFFF;
	(pc) =	sbr.rel @p0 .LBB2_1-.Ltmp2, $4  }
0x62: {  	[hbm:s17], [sflag:s18] =	dma.local [spmem:s19], $0x2800  }
0x63: {  	_ =	swait.ge [sflag:s14], $0x2800  }
0x64: {  	[sflag:s14] =	ssyncset.done $0x0  }
0x65: {  	[sflag:s14] =	ssyncadd.s32 $0xFFFFD800  }
0x66: {  	_ =	sfence.sel $0x180000  }
0x67: {  	[bflag:$0x0] =	sbarrier.arrive $0xFFFF  }
0x68: {  	p0 =	sne.s32 s3, $0x0;
	_ =	strace $0x9000004A  }
0x69: {  	s0 =	sadd.s32 @!p0 $0x100000, s0;
	[bflag:$0x2] =	sbarrier.arrive $0xFFFF  }
0x6a: {  	[sflag:s0] =	ssyncadd.tile.s32 @!p0 $0x1;
	_ =	shalt  }
.Lfunc_end2:
_tile_overlayer_lowered:
.L_overlay_start_2:
0x6b: {  	(tag) =	ssettag $0x2  }
0x6c: {  	s0 =	rddreg [dreg:$0x0];
	s2 =	stileid.u32  }
0x6d: {  	s1 =	rddreg [dreg:$0x1];
	p0 =	sne.s32 s2, $0x0  }
0x6e: {  	s3 =	rddreg [dreg:$0x2];
	[bflag:$0x3] =	sbarrier.arrive $0xFFFF;
	s2 =	simm.s32 @!p0 $0x1C02  }
0x6f: {  	[timem:s3], [sflag:s2] =	dma.local @!p0 [hbm:s0], s1  }
0x70: {  	s0 =	simm.s32 @!p0 $0x2  }
0x71: {  	_ =	swait.ge @!p0 [sflag:s0], s1  }
0x72: {  	s1 =	ssub.s32 @!p0 $0x0, s1;
	[sflag:s0] =	ssyncset.done @!p0 $0x0  }
0x73: {  	[sflag:s0] =	ssyncadd.s32 @!p0 s1  }
0x74: {  	[bflag:$0x3] =	sbarrier.arrive $0xFFFF  }
0x75: {  	_ =	shalt  }

// kernel: kernel.19.cloned.1.call-start
scs
__scs_entry_jumppad:
0x0: {  	(pc) =	sbr.rel $0x88, $3  }
0x1: {  	(tag) =	ssettag $0x0;
	lr =	simm.s32 $0x1  }
0x2: {  	[smem:$0x3F96] =	sst lr;
	_ =	strace $0xD0000000  }
0x3: {  	_ = 	snop  }
0x4: {  	_ = 	snop  }
0x5: {  	_ = 	snop  }
0x6: {  	_ = 	snop  }
0x7: {  	_ = 	snop  }
__scs_overlays_trampoline_lowered:
0x8: {  	[smem:$0x3FA5] =	sst s0  }
0x9: {  	[smem:$0x3FA6] =	sst s1  }
0xa: {  	[smem:$0x3FA7] =	sst s2  }
0xb: {  	[smem:$0x3FA8] =	sst s3  }
0xc: {  	[smem:$0x3FA9] =	sst s4  }
0xd: {  	[smem:$0x3FAA] =	sst s5  }
0xe: {  	[smem:$0x3FAB] =	sst s6  }
0xf: {  	[smem:$0x3FAC] =	sst s7  }
0x10: {  	[smem:$0x3FAD] =	sst s8  }
0x11: {  	[smem:$0x3FAE] =	sst s9;
	s0 =	simm.s32 @!p0 $0x0  }
0x12: {  	s1 =	sld [smem:$0x3F94];
	s0 =	simm.s32 @p0 $0x1  }
0x13: {  	[smem:$0x3FAF] =	sst s0;
	s0 =	simm.s32 @!p1 $0x0  }
0x14: {  	s2 =	sld [smem:$0x3F93];
	s0 =	simm.s32 @p1 $0x1  }
0x15: {  	[smem:$0x3FB0] =	sst s0;
	s0 =	simm.s32 @!p2 $0x0  }
0x16: {  	s3 =	sld [smem:$0x3FDB];
	s0 =	simm.s32 @p2 $0x1  }
0x17: {  	s4 =	simm.s32 $0x1BF5;
	[smem:$0x3FB2] =	sst s0  }
0x18: {  	s0 =	sld [smem:$0x3F95];
	_ =	swait.ge [sflag:s4], $0x0  }
0x19: {  	s7 =	sld [smem:$0x3F96]  }
0x1a: {  	s8 =	sadd.s32 $0xFFFFE003, lr  }
0x1b: {  	s9 =	sadd.s32 $0xFFFFFEF7, lr;
	s5 =	simm.s32 $0xFFFFFFFF;
	p2 =	slt.u32 s8, $0xFFFFF086  }
0x1c: {  	p1 =	slt.u32 s9, $0xF7A;
	s5 =	simm.s32 @!p2 $0x0  }
0x1d: {  	s5 =	simm.s32 @p1 $0x1;
	p0 =	seq.s32 s7, s2  }
0x1e: {  	s7 =	smul.u32 @!p0 $0xF7A, s2;
	p2 =	seq.s32 @!p0 s5, $0x0  }
0x1f: {  	s9 =	smul.u32 $0xF7A, s1;
	s8 =	simm.s32 @!p0 $0x1BF5;
	p2 =	por !p2, p0  }
0x20: {  	[sflag:s8] =	ssyncset.s32 @!p0 $0xFFFFF086;
	s6 =	sadd.s32 @!p0 s3, s7;
	s7 =	simm.s32 @!p0 $0x108  }
0x21: {  	s3 =	sadd.s32 s3, s9;
	s6 =	sadd.s32 @!p0 $0x88, s6;
	s7 =	simm.s32 @p2 $0x1082  }
0x22: {  	[simem:s7], [sflag:s8] =	dma.local @!p0 [hbm:s6], $0xF7A  }
0x23: {  	s9 =	sor.u32 $0xD0000000, s2;
	s6 =	simm.s32 $0x108;
	_ =	swait.ge @!p0 [sflag:s8], $0x0  }
0x24: {  	s3 =	sadd.s32 $0x88, s3;
	s6 =	simm.s32 @!p1 $0x1082;
	[sflag:s4] =	ssyncset.s32 $0xFFFFF086  }
0x25: {  	[simem:s6], [sflag:s4] =	dma.local [hbm:s3], $0xF7A  }
0x26: {  	[smem:$0x3F96] =	sst s1;
	(tag) =	ssettag s2;
	_ =	strace s9  }
0x27: {  	s1 =	sld [smem:$0x3FA6]  }
0x28: {  	s2 =	sld [smem:$0x3FA7]  }
0x29: {  	s4 =	sld [smem:$0x3FA9]  }
0x2a: {  	p0 =	seq.s32 s5, $0x0;
	s5 =	sld [smem:$0x3FAA]  }
0x2b: {  	s6 =	sld [smem:$0x3FAB]  }
0x2c: {  	s7 =	sld [smem:$0x3FAC]  }
0x2d: {  	s3 =	simm.s32 $0x108;
	s8 =	sld [smem:$0x3FAD]  }
0x2e: {  	s3 =	simm.s32 @!p0 $0x1082;
	s9 =	sld [smem:$0x3FAE]  }
0x2f: {  	lr =	sadd.s32 s0, s3;
	s0 =	sld [smem:$0x3FA5]  }
0x30: {  	s3 =	sld [smem:$0x3FA8]  }
0x31: {  	[smem:$0x3FB1] =	sst s10  }
0x32: {  	s10 =	sld [smem:$0x3FAF];
	_ =	sdelay $0x3  }
0x33: {  	p0 =	seq.s32 s10, $0x1;
	s10 =	sld [smem:$0x3FB1];
	_ =	sdelay $0x3  }
0x34: {  	[smem:$0x3FB1] =	sst s10  }
0x35: {  	s10 =	sld [smem:$0x3FB0];
	_ =	sdelay $0x3  }
0x36: {  	p1 =	seq.s32 s10, $0x1;
	s10 =	sld [smem:$0x3FB1];
	_ =	sdelay $0x3  }
0x37: {  	[smem:$0x3FB1] =	sst s10  }
0x38: {  	s10 =	sld [smem:$0x3FB2]  }
0x39: {  	_ = 	snop;
	(pc) =	sbr.ind lr, $3  }
0x3a: {  	_ = 	snop  }
0x3b: {  	_ = 	snop  }
0x3c: {  	p2 =	seq.s32 s10, $0x1;
	s10 =	sld [smem:$0x3FB1]  }
0x3d: {  	_ =	shalt  }
0x3e: {  	_ =	shalt  }
0x3f: {  	_ =	shalt  }
0x40: {  	_ =	shalt  }
0x41: {  	_ =	shalt  }
0x42: {  	_ =	shalt  }
0x43: {  	_ =	shalt  }
0x44: {  	_ =	shalt  }
0x45: {  	_ =	shalt  }
0x46: {  	_ =	shalt  }
0x47: {  	_ =	shalt  }
0x48: {  	_ =	shalt  }
0x49: {  	_ =	shalt  }
0x4a: {  	_ =	shalt  }
0x4b: {  	_ =	shalt  }
0x4c: {  	_ =	shalt  }
0x4d: {  	_ =	shalt  }
0x4e: {  	_ =	shalt  }
0x4f: {  	_ =	shalt  }
0x50: {  	_ =	shalt  }
0x51: {  	_ =	shalt  }
0x52: {  	_ =	shalt  }
0x53: {  	_ =	shalt  }
0x54: {  	_ =	shalt  }
0x55: {  	_ =	shalt  }
0x56: {  	_ =	shalt  }
0x57: {  	_ =	shalt  }
0x58: {  	_ =	shalt  }
0x59: {  	_ =	shalt  }
0x5a: {  	_ =	shalt  }
0x5b: {  	_ =	shalt  }
0x5c: {  	_ =	shalt  }
0x5d: {  	_ =	shalt  }
0x5e: {  	_ =	shalt  }
0x5f: {  	_ =	shalt  }
0x60: {  	_ =	shalt  }
0x61: {  	_ =	shalt  }
0x62: {  	_ =	shalt  }
0x63: {  	_ =	shalt  }
0x64: {  	_ =	shalt  }
0x65: {  	_ =	shalt  }
0x66: {  	_ =	shalt  }
0x67: {  	_ =	shalt  }
0x68: {  	_ =	shalt  }
0x69: {  	_ =	shalt  }
0x6a: {  	_ =	shalt  }
0x6b: {  	_ =	shalt  }
0x6c: {  	_ =	shalt  }
0x6d: {  	_ =	shalt  }
0x6e: {  	_ =	shalt  }
0x6f: {  	_ =	shalt  }
0x70: {  	_ =	shalt  }
0x71: {  	_ =	shalt  }
0x72: {  	_ =	shalt  }
0x73: {  	_ =	shalt  }
0x74: {  	_ =	shalt  }
0x75: {  	_ =	shalt  }
0x76: {  	_ =	shalt  }
0x77: {  	_ =	shalt  }
0x78: {  	_ =	shalt  }
0x79: {  	_ =	shalt  }
0x7a: {  	_ =	shalt  }
0x7b: {  	_ =	shalt  }
0x7c: {  	_ =	shalt  }
0x7d: {  	_ =	shalt  }
0x7e: {  	_ =	shalt  }
0x7f: {  	_ =	shalt  }
0x80: {  	_ =	shalt  }
0x81: {  	_ =	shalt  }
0x82: {  	_ =	shalt  }
0x83: {  	_ =	shalt  }
0x84: {  	_ =	shalt  }
0x85: {  	_ =	shalt  }
0x86: {  	_ =	shalt  }
0x87: {  	_ =	shalt  }
.Lfunc_end0:
.L_simem_size_0:
called_computation.2_lowered:
.L_overlay_start_0:
0x88: {  	s2 =	sld [smem:$0x3FD9]  }
0x89: {  	s3 =	sld [smem:$0x3FFE];
	_ =	sdelay $0x1  }
0x8a: {  	s1 =	srdreg.scid  }
0x8b: {  	s0 =	sand.u32 $0x1, s1  }
0x8c: {  	s17 =	sshll.u32 s0, $0xA;
	s2 =	sadd.s32 s3, s2  }
0x8d: {  	s2 =	sadd.s32 s2, s17  }
0x8e: {  	[smem:$0x3FBD] =	sst s2  }
0x8f: {  	_ = 	snop  }
0x90: {  	s2 =	sld [smem:$0x3FD0];
	(tm) =	ssettm $0x1  }
0x91: {  	s18 =	sld [smem:$0x3FFB];
	_ =	sdelay $0x3  }
0x92: {  	_ =	strace s18  }
0x93: {  	s3 =	sld [smem:$0x3FFC];
	_ =	sdelay $0x3  }
0x94: {  	_ =	strace s3  }
0x95: {  	s3 =	sld [smem:$0x3FFD];
	_ =	sdelay $0x3  }
0x96: {  	_ =	strace s3  }
0x97: {  	_ =	strace $0x8FFFFFFF  }
0x98: {  	s19 =	sld [smem:$0x3FDB];
	_ =	sdelay $0x1  }
0x99: {  	s4 =	simm.s32 $_scs_section_size  }
0x9a: {  	s5 =	simm.s32 $_size__tile_overlayer_lowered;
	s6 =	simm.s32 $_tile_overlayer_lowered  }
0x9b: {  	s22 =	simm.s32 $0x1BFF;
	s21 =	sshll.u32 s6, $0x1;
	s3 =	sadd.s32 s4, s19  }
0x9c: {  	s7 =	simm.s32 $0x0;
	s20 =	sshll.u32 s5, $0x1;
	s5 =	sadd.s32 s21, s3  }
0x9d: {  	[timem:s7], [sflag:s22] =	dma.local [hbm:s5], s20  }
0x9e: {  	_ =	swait.ge [sflag:s22], s20  }
0x9f: {  	s4 =	ssub.s32 $0x0, s20;
	[sflag:s22] =	ssyncset.done $0x0  }
0xa0: {  	[sflag:s22] =	ssyncadd.s32 s4;
	_ =	sdelay $0x1  }
0xa1: {  	s23 =	simm.s32 $0x1B8B  }
0xa2: {  	_ =	swait.ge [sflag:s23], $0x1  }
0xa3: {  	[sflag:s23] =	ssyncset.done $0x0  }
0xa4: {  	s25 =	simm.s32 $0x1B8E;
	s24 =	sld [smem:$0x3FFE];
	[sflag:s23] =	ssyncadd.s32 $0xFFFFFFFF  }
0xa5: {  	s26 =	simm.s32 $execute0_lowered;
	[smem:$0x3FD2] =	sst s25  }
0xa6: {  	s5 =	sshll.u32 s26, $0x1;
	_ =	strace $0x8000004C;
	[dreg:$0x1] =	wrdreg $0xFFFFFFFF  }
0xa7: {  	s28 =	simm.s32 $_size_execute0_lowered;
	s3 =	sadd.s32 s3, s5;
	[dreg:$0x0] =	wrdreg $0x0  }
0xa8: {  	s5 =	sshll.u32 s28, $0x1;
	[dreg:$0x2] =	wrdreg s3  }
0xa9: {  	[dreg:$0x3] =	wrdreg s5  }
0xaa: {  	[dreg:$0x4] =	wrdreg $0xC0  }
0xab: {  	_ =	task [dreg:s7], $0x5FFFF  }
0xac: {  	[dreg:$0x1] =	wrdreg $0xFFFFFFFF  }
0xad: {  	[dreg:$0x0] =	wrdreg $0x60  }
0xae: {  	[dreg:$0x2] =	wrdreg s2  }
0xaf: {  	[dreg:$0x3] =	wrdreg s24  }
0xb0: {  	[dreg:$0x4] =	wrdreg $0x41000  }
0xb1: {  	[dreg:$0x5] =	wrdreg $0x9  }
0xb2: {  	_ =	task.clear_ibuf [dreg:s7], $0x6FFFF;
	_ =	strace $0x9000004C  }
0xb3: {  	s29 =	simm.s32 $0x9;
	_ =	strace $0x8000004E  }
0xb4: {  	_ =	swait.ge [sflag:s29], $0x1  }
0xb5: {  	[sflag:s29] =	ssyncadd.s32 $0xFFFFFFFF  }
0xb6: {  	_ =	strace $0x9000004E  }
0xb7: {  	_ =	sfence  }
0xb8: {  	s30 =	sld [smem:$0x0];
	_ =	sdelay $0x2  }
0xb9: {  	s31 =	sshll.u32 s1, $0xD;
	s1 =	sshrl.u32 s1, $0x2  }
0xba: {  	s3 =	sand.u32 $0x4000, s31;
	s1 =	sadd.s32 s1, s30  }
0xbb: {  	s0 =	sor.u32 s3, s0;
	s1 =	sshll.u32 s1, $0x11  }
0xbc: {  	s0 =	sor.u32 s1, s0  }
0xbd: {  	s0 =	sadd.s32 $0x8F2B, s0  }
0xbe: {  	[sflag:s0] =	ssyncadd.remote.s32 $0x1  }
0xbf: {  	_ =	sfence.sel $0xFFFF  }
0xc0: {  	[dreg:$0x0] =	wrdreg $0xFFFFFFFF;
	(pc) =	sbr.abs _section_cstart, $3  }
0xc1: {  	[dreg:$0x1] =	wrdreg $0xFFFFFFFF  }
0xc2: {  	_ =	task.clear_ibuf [dreg:s7], $0x2FFFF;
	_ =	strace $0x9FFFFFFF  }
0xc3: {  	(tm) =	ssettm $0x7FFFFFFF  }
tec
execute0_lowered:
.L_overlay_start_1:
0x0: {  	(tag) =	ssettag $0x1  }
0x1: {  	s1 =	rddreg [dreg:$0x0]  }
0x2: {  	s5 =	rddreg [dreg:$0x1]  }
0x3: {  	s0 =	srdreg.scid;
	s2 =	rddreg [dreg:$0x2]  }
0x4: {  	s4 =	simm.s32 $0x0;
	s3 =	stileid.u32;
	s13 =	simm.s32 $0x100  }
0x5: {  	s14 =	simm.s32 $0x2;
	s15 =	simm.s32 $0x80;
	s9 =	smul.u32 $0x50000, s3  }
0x6: {  	s16 =	simm.s32 $0x1;
	s20 =	simm.s32 $0x0;
	s11 =	smul.u32 $0x500, s3  }
0x7: {  	s6 =	sand.u32 $0x1, s0;
	s0 =	rddreg [dreg:$0x3];
	s18 =	smul.u32 $0x2800, s3  }
0x8: {  	[smem:$0x7FF] =	sst s4;
	s31 =	sshll.u32 s3, $0x6;
	s7 =	smul.u32 $0x5000, s6  }
0x9: {  	s8 =	smul.u32 $0x28000, s6;
	s6 =	ssub.s32 $0x2, s6;
	_ =	strace $0x8000004D  }
0xa: {  	s29 =	sshrl.u32 s6, $0x1;
	s30 =	sshrl.u32 s9, $0x2;
	s10 =	sadd.s32 s7, s5  }
0xb: {  	s8 =	sadd.s32 s8, s5;
	s6 =	ssub.s32 s6, s29;
	s5 =	sadd.s32 s30, s2  }
0xc: {  	s17 =	sadd.s32 $0x69600, s8;
	s6 =	smax.u32 s6, $0x1;
	s7 =	sadd.s32 $0x4000, s5  }
0xd: {  	s8 =	sadd.s32 $0x8000, s5;
	s9 =	sadd.s32 $0xC000, s5;
	s12 =	sadd.s32 s11, s10  }
0xe: {  	s10 =	sadd.s32 $0x10000, s5;
	s19 =	sshrl.u32 s5, $0x3;
	s11 =	sadd.s32 $0x5600, s12  }
0xf: {  	v0 =	vimm.f32 $0.0e+00;
	s12 =	sadd.s32 $0x5F600, s12;
	s17 =	sadd.s32 s18, s17;
	s18 =	sor.u32 $0x1C02, s31  }
.LBB2_1:
0x10: {  	s21 =	sand.u32 $0xFE00, s4  }
0x11: {  	s22 =	sand.u32 $0x70, s4;
	s23 =	sshrl.u32 s21, $0x2  }
0x12: {  	s21 =	simm.s32 $0x40;
	s23 =	sor.u32 s22, s23;
	s22 =	simm.s32 $0x0  }
.LBB2_2:
0x13: {  	p0 =	sne.s32 s21, $0xFFC0  }
0x14: {  	[tilespmem:s23+$0x100] =	vst v0;
	s22 =	sadd.s32 $0x10, s22;
	s23 =	smov.u32 s21;
	s21 =	sadd.s32 $0x40, s21  }
.Ltmp0:
0x15: {  	(pc) =	sbr.rel @p0 .LBB2_2-.Ltmp0, $4  }
0x16: {  	_ = 	snop  }
0x17: {  	s23 =	sand.u32 $0xFE00, s23  }
0x18: {  	s24 =	sand.u32 $0x70, s22;
	s23 =	sshrl.u32 s23, $0x2  }
0x19: {  	s23 =	sor.u32 s24, s23  }
0x1a: {  	[tilespmem:s23+$0x100] =	vst v0  }
0x1b: {  	[spmem:s5] =	stream.linear.scatter [tilespmem:s13], [sflag:$0x2], $0x4000, $0x38;
	[tilespmem:$0x18100] =	vst v63  }
0x1c: {  	_ =	swait.ge [sflag:s14], $0x4000  }
0x1d: {  	[sflag:s14] =	ssyncset.done $0x0  }
0x1e: {  	[sflag:s14] =	ssyncadd.s32 $0xFFFFC000  }
0x1f: {  	[spmem:s7] =	stream.linear.scatter [tilespmem:s13], [sflag:$0x2], $0x4000, $0x38;
	[tilespmem:$0x18100] =	vst v63  }
0x20: {  	_ =	swait.ge [sflag:s14], $0x4000  }
0x21: {  	[sflag:s14] =	ssyncset.done $0x0  }
0x22: {  	[sflag:s14] =	ssyncadd.s32 $0xFFFFC000  }
0x23: {  	[spmem:s8] =	stream.linear.scatter [tilespmem:s13], [sflag:$0x2], $0x4000, $0x38;
	[tilespmem:$0x18100] =	vst v63  }
0x24: {  	_ =	swait.ge [sflag:s14], $0x4000  }
0x25: {  	[sflag:s14] =	ssyncset.done $0x0  }
0x26: {  	[sflag:s14] =	ssyncadd.s32 $0xFFFFC000  }
0x27: {  	[spmem:s9] =	stream.linear.scatter [tilespmem:s13], [sflag:$0x2], $0x4000, $0x38;
	[tilespmem:$0x18100] =	vst v63  }
0x28: {  	_ =	swait.ge [sflag:s14], $0x4000  }
0x29: {  	[sflag:s14] =	ssyncset.done $0x0  }
0x2a: {  	[sflag:s14] =	ssyncadd.s32 $0xFFFFC000  }
0x2b: {  	[spmem:s10] =	stream.linear.scatter [tilespmem:s13], [sflag:$0x2], $0x4000, $0x38;
	[tilespmem:$0x18100] =	vst v63  }
0x2c: {  	_ =	swait.ge [sflag:s14], $0x4000  }
0x2d: {  	[sflag:s14] =	ssyncset.done $0x0  }
0x2e: {  	[sflag:s14] =	ssyncadd.s32 $0xFFFFC000  }
0x2f: {  	s21 =	sadd.s32 $0x0, s12;
	[bflag:$0x0] =	sbarrier.arrive $0xFFFF  }
0x30: {  	[tilespmem:s4], [sflag:$0x2] =	stream.linear.gather [hbm4b:s21+s4], $0x80, $0x38;
	[tilespmem:$0x18100] =	vst v63  }
0x31: {  	_ =	swait.ge [sflag:s14], $0x80  }
0x32: {  	[sflag:s14] =	ssyncset.done $0x0  }
0x33: {  	s31 =	sadd.s32 $0x0, s11;
	[sflag:s14] =	ssyncadd.s32 $0xFFFFFF80  }
0x34: {  	[tilespmem:s15], [sflag:$0x2] =	stream.linear.gather [hbm4b:s31+s4], $0x80, $0x38;
	[tilespmem:$0x18100] =	vst v63  }
0x35: {  	_ =	swait.ge [sflag:s14], $0x80  }
0x36: {  	[sflag:s14] =	ssyncset.done $0x0  }
0x37: {  	[sflag:s14] =	ssyncadd.s32 $0xFFFFFF80  }
0x38: {  	[tilespmem:s13], [sflag:$0x1] =	stream.indirect.gather [hbm4b:s1+s15], $0x80, s4, s15, $0xb8;
	[tilespmem:$0x18100] =	vst v63  }
0x39: {  	_ =	swait.ge [sflag:s16], $0x4000  }
0x3a: {  	[sflag:s16] =	ssyncset.done $0x0  }
0x3b: {  	[sflag:s16] =	ssyncadd.s32 $0xFFFFC000  }
0x3c: {  	[spmem:s2] =	stream.indirect.scatter.add.f32 [tilespmem:s13], [sflag:$0x2], $0x80, s15, s15, $0xb8;
	[tilespmem:$0x18100] =	vst v63  }
0x3d: {  	_ =	swait.ge [sflag:s14], $0x4000  }
0x3e: {  	s22 =	simm.s32 $0x20;
	s21 =	simm.s32 $0x10;
	[sflag:s14] =	ssyncset.done $0x0  }
.LBB2_4:
0x3f: {  	s23 =	sadd.s32 s21, s12  }
0x40: {  	[sflag:s14] =	ssyncadd.s32 $0xFFFFC000;
	s24 =	smov.u32 s22;
	s25 =	sadd.s32 $0x10, s22  }
0x41: {  	[tilespmem:s4], [sflag:$0x2] =	stream.linear.gather [hbm4b:s23+s4], $0x80, $0x38;
	[tilespmem:$0x18100] =	vst v63  }
0x42: {  	p0 =	sne.s32 s22, $0x4F0;
	_ =	swait.ge [sflag:s14], $0x80  }
0x43: {  	[sflag:s14] =	ssyncset.done $0x0  }
0x44: {  	s22 =	sadd.s32 s21, s11;
	s21 =	smov.u32 s24;
	[sflag:s14] =	ssyncadd.s32 $0xFFFFFF80  }
0x45: {  	[tilespmem:s15], [sflag:$0x2] =	stream.linear.gather [hbm4b:s22+s4], $0x80, $0x38;
	[tilespmem:$0x18100] =	vst v63  }
0x46: {  	_ =	swait.ge [sflag:s14], $0x80  }
0x47: {  	[sflag:s14] =	ssyncset.done $0x0  }
0x48: {  	[sflag:s14] =	ssyncadd.s32 $0xFFFFFF80  }
0x49: {  	[tilespmem:s13], [sflag:$0x1] =	stream.indirect.gather [hbm4b:s1+s15], $0x80, s4, s15, $0xb8;
	[tilespmem:$0x18100] =	vst v63  }
0x4a: {  	_ =	swait.ge [sflag:s16], $0x4000  }
.Ltmp1:
0x4b: {  	[sflag:s16] =	ssyncset.done $0x0;
	(pc) =	sbr.rel @p0 .LBB2_4-.Ltmp1, $4  }
0x4c: {  	[sflag:s16] =	ssyncadd.s32 $0xFFFFC000  }
0x4d: {  	[spmem:s2] =	stream.indirect.scatter.add.f32 [tilespmem:s13], [sflag:$0x2], $0x80, s15, s15, $0xb8;
	[tilespmem:$0x18100] =	vst v63  }
0x4e: {  	_ =	swait.ge [sflag:s14], $0x4000  }
0x4f: {  	s22 =	smov.u32 s25;
	[sflag:s14] =	ssyncset.done $0x0  }
0x50: {  	s22 =	sadd.s32 s21, s12;
	[sflag:s14] =	ssyncadd.s32 $0xFFFFC000  }
0x51: {  	[tilespmem:s4], [sflag:$0x2] =	stream.linear.gather [hbm4b:s22+s4], $0x80, $0x38;
	[tilespmem:$0x18100] =	vst v63  }
0x52: {  	_ =	swait.ge [sflag:s14], $0x80  }
0x53: {  	[sflag:s14] =	ssyncset.done $0x0  }
0x54: {  	s31 =	sadd.s32 s21, s11;
	[sflag:s14] =	ssyncadd.s32 $0xFFFFFF80  }
0x55: {  	[tilespmem:s15], [sflag:$0x2] =	stream.linear.gather [hbm4b:s31+s4], $0x80, $0x38;
	[tilespmem:$0x18100] =	vst v63  }
0x56: {  	_ =	swait.ge [sflag:s14], $0x80  }
0x57: {  	[sflag:s14] =	ssyncset.done $0x0  }
0x58: {  	[sflag:s14] =	ssyncadd.s32 $0xFFFFFF80  }
0x59: {  	[tilespmem:s13], [sflag:$0x1] =	stream.indirect.gather [hbm4b:s1+s15], $0x80, s4, s15, $0xb8;
	[tilespmem:$0x18100] =	vst v63  }
0x5a: {  	_ =	swait.ge [sflag:s16], $0x4000  }
0x5b: {  	[sflag:s16] =	ssyncset.done $0x0  }
0x5c: {  	[sflag:s16] =	ssyncadd.s32 $0xFFFFC000  }
0x5d: {  	[spmem:s2] =	stream.indirect.scatter.add.f32 [tilespmem:s13], [sflag:$0x2], $0x80, s15, s15, $0xb8;
	[tilespmem:$0x18100] =	vst v63  }
0x5e: {  	_ =	swait.ge [sflag:s14], $0x4000  }
0x5f: {  	s20 =	sadd.s32 $0x1, s20;
	[sflag:s14] =	ssyncset.done $0x0  }
0x60: {  	p0 =	sne.s32 s20, s6;
	[sflag:s14] =	ssyncadd.s32 $0xFFFFC000  }
.Ltmp2:
0x61: {  	[bflag:$0x0] =	sbarrier.arrive $0xFFFF;
	(pc) =	sbr.rel @p0 .LBB2_1-.Ltmp2, $4  }
0x62: {  	[hbm:s17], [sflag:s18] =	dma.local [spmem:s19], $0x2800  }
0x63: {  	_ =	swait.ge [sflag:s14], $0x2800  }
0x64: {  	[sflag:s14] =	ssyncset.done $0x0  }
0x65: {  	[sflag:s14] =	ssyncadd.s32 $0xFFFFD800  }
0x66: {  	_ =	sfence.sel $0x180000  }
0x67: {  	[bflag:$0x0] =	sbarrier.arrive $0xFFFF  }
0x68: {  	p0 =	sne.s32 s3, $0x0;
	_ =	strace $0x9000004D  }
0x69: {  	s0 =	sadd.s32 @!p0 $0x100000, s0;
	[bflag:$0x2] =	sbarrier.arrive $0xFFFF  }
0x6a: {  	[sflag:s0] =	ssyncadd.tile.s32 @!p0 $0x1;
	_ =	shalt  }
.Lfunc_end2:
_tile_overlayer_lowered:
.L_overlay_start_2:
0x6b: {  	(tag) =	ssettag $0x2  }
0x6c: {  	s0 =	rddreg [dreg:$0x0];
	s2 =	stileid.u32  }
0x6d: {  	s1 =	rddreg [dreg:$0x1];
	p0 =	sne.s32 s2, $0x0  }
0x6e: {  	s3 =	rddreg [dreg:$0x2];
	[bflag:$0x3] =	sbarrier.arrive $0xFFFF;
	s2 =	simm.s32 @!p0 $0x1C02  }
0x6f: {  	[timem:s3], [sflag:s2] =	dma.local @!p0 [hbm:s0], s1  }
0x70: {  	s0 =	simm.s32 @!p0 $0x2  }
0x71: {  	_ =	swait.ge @!p0 [sflag:s0], s1  }
0x72: {  	s1 =	ssub.s32 @!p0 $0x0, s1;
	[sflag:s0] =	ssyncset.done @!p0 $0x0  }
0x73: {  	[sflag:s0] =	ssyncadd.s32 @!p0 s1  }
0x74: {  	[bflag:$0x3] =	sbarrier.arrive $0xFFFF  }
0x75: {  	_ =	shalt  }

// kernel: kernel.22.cloned.1.call-start
scs
__scs_entry_jumppad:
0x0: {  	(pc) =	sbr.rel $0x88, $3  }
0x1: {  	(tag) =	ssettag $0x0;
	lr =	simm.s32 $0x1  }
0x2: {  	[smem:$0x3F96] =	sst lr;
	_ =	strace $0xD0000000  }
0x3: {  	_ = 	snop  }
0x4: {  	_ = 	snop  }
0x5: {  	_ = 	snop  }
0x6: {  	_ = 	snop  }
0x7: {  	_ = 	snop  }
__scs_overlays_trampoline_lowered:
0x8: {  	[smem:$0x3FA5] =	sst s0  }
0x9: {  	[smem:$0x3FA6] =	sst s1  }
0xa: {  	[smem:$0x3FA7] =	sst s2  }
0xb: {  	[smem:$0x3FA8] =	sst s3  }
0xc: {  	[smem:$0x3FA9] =	sst s4  }
0xd: {  	[smem:$0x3FAA] =	sst s5  }
0xe: {  	[smem:$0x3FAB] =	sst s6  }
0xf: {  	[smem:$0x3FAC] =	sst s7  }
0x10: {  	[smem:$0x3FAD] =	sst s8  }
0x11: {  	[smem:$0x3FAE] =	sst s9;
	s0 =	simm.s32 @!p0 $0x0  }
0x12: {  	s1 =	sld [smem:$0x3F94];
	s0 =	simm.s32 @p0 $0x1  }
0x13: {  	[smem:$0x3FAF] =	sst s0;
	s0 =	simm.s32 @!p1 $0x0  }
0x14: {  	s2 =	sld [smem:$0x3F93];
	s0 =	simm.s32 @p1 $0x1  }
0x15: {  	[smem:$0x3FB0] =	sst s0;
	s0 =	simm.s32 @!p2 $0x0  }
0x16: {  	s3 =	sld [smem:$0x3FDB];
	s0 =	simm.s32 @p2 $0x1  }
0x17: {  	s4 =	simm.s32 $0x1BF5;
	[smem:$0x3FB2] =	sst s0  }
0x18: {  	s0 =	sld [smem:$0x3F95];
	_ =	swait.ge [sflag:s4], $0x0  }
0x19: {  	s7 =	sld [smem:$0x3F96]  }
0x1a: {  	s8 =	sadd.s32 $0xFFFFE003, lr  }
0x1b: {  	s9 =	sadd.s32 $0xFFFFFEF7, lr;
	s5 =	simm.s32 $0xFFFFFFFF;
	p2 =	slt.u32 s8, $0xFFFFF086  }
0x1c: {  	p1 =	slt.u32 s9, $0xF7A;
	s5 =	simm.s32 @!p2 $0x0  }
0x1d: {  	s5 =	simm.s32 @p1 $0x1;
	p0 =	seq.s32 s7, s2  }
0x1e: {  	s7 =	smul.u32 @!p0 $0xF7A, s2;
	p2 =	seq.s32 @!p0 s5, $0x0  }
0x1f: {  	s9 =	smul.u32 $0xF7A, s1;
	s8 =	simm.s32 @!p0 $0x1BF5;
	p2 =	por !p2, p0  }
0x20: {  	[sflag:s8] =	ssyncset.s32 @!p0 $0xFFFFF086;
	s6 =	sadd.s32 @!p0 s3, s7;
	s7 =	simm.s32 @!p0 $0x108  }
0x21: {  	s3 =	sadd.s32 s3, s9;
	s6 =	sadd.s32 @!p0 $0x88, s6;
	s7 =	simm.s32 @p2 $0x1082  }
0x22: {  	[simem:s7], [sflag:s8] =	dma.local @!p0 [hbm:s6], $0xF7A  }
0x23: {  	s9 =	sor.u32 $0xD0000000, s2;
	s6 =	simm.s32 $0x108;
	_ =	swait.ge @!p0 [sflag:s8], $0x0  }
0x24: {  	s3 =	sadd.s32 $0x88, s3;
	s6 =	simm.s32 @!p1 $0x1082;
	[sflag:s4] =	ssyncset.s32 $0xFFFFF086  }
0x25: {  	[simem:s6], [sflag:s4] =	dma.local [hbm:s3], $0xF7A  }
0x26: {  	[smem:$0x3F96] =	sst s1;
	(tag) =	ssettag s2;
	_ =	strace s9  }
0x27: {  	s1 =	sld [smem:$0x3FA6]  }
0x28: {  	s2 =	sld [smem:$0x3FA7]  }
0x29: {  	s4 =	sld [smem:$0x3FA9]  }
0x2a: {  	p0 =	seq.s32 s5, $0x0;
	s5 =	sld [smem:$0x3FAA]  }
0x2b: {  	s6 =	sld [smem:$0x3FAB]  }
0x2c: {  	s7 =	sld [smem:$0x3FAC]  }
0x2d: {  	s3 =	simm.s32 $0x108;
	s8 =	sld [smem:$0x3FAD]  }
0x2e: {  	s3 =	simm.s32 @!p0 $0x1082;
	s9 =	sld [smem:$0x3FAE]  }
0x2f: {  	lr =	sadd.s32 s0, s3;
	s0 =	sld [smem:$0x3FA5]  }
0x30: {  	s3 =	sld [smem:$0x3FA8]  }
0x31: {  	[smem:$0x3FB1] =	sst s10  }
0x32: {  	s10 =	sld [smem:$0x3FAF];
	_ =	sdelay $0x3  }
0x33: {  	p0 =	seq.s32 s10, $0x1;
	s10 =	sld [smem:$0x3FB1];
	_ =	sdelay $0x3  }
0x34: {  	[smem:$0x3FB1] =	sst s10  }
0x35: {  	s10 =	sld [smem:$0x3FB0];
	_ =	sdelay $0x3  }
0x36: {  	p1 =	seq.s32 s10, $0x1;
	s10 =	sld [smem:$0x3FB1];
	_ =	sdelay $0x3  }
0x37: {  	[smem:$0x3FB1] =	sst s10  }
0x38: {  	s10 =	sld [smem:$0x3FB2]  }
0x39: {  	_ = 	snop;
	(pc) =	sbr.ind lr, $3  }
0x3a: {  	_ = 	snop  }
0x3b: {  	_ = 	snop  }
0x3c: {  	p2 =	seq.s32 s10, $0x1;
	s10 =	sld [smem:$0x3FB1]  }
0x3d: {  	_ =	shalt  }
0x3e: {  	_ =	shalt  }
0x3f: {  	_ =	shalt  }
0x40: {  	_ =	shalt  }
0x41: {  	_ =	shalt  }
0x42: {  	_ =	shalt  }
0x43: {  	_ =	shalt  }
0x44: {  	_ =	shalt  }
0x45: {  	_ =	shalt  }
0x46: {  	_ =	shalt  }
0x47: {  	_ =	shalt  }
0x48: {  	_ =	shalt  }
0x49: {  	_ =	shalt  }
0x4a: {  	_ =	shalt  }
0x4b: {  	_ =	shalt  }
0x4c: {  	_ =	shalt  }
0x4d: {  	_ =	shalt  }
0x4e: {  	_ =	shalt  }
0x4f: {  	_ =	shalt  }
0x50: {  	_ =	shalt  }
0x51: {  	_ =	shalt  }
0x52: {  	_ =	shalt  }
0x53: {  	_ =	shalt  }
0x54: {  	_ =	shalt  }
0x55: {  	_ =	shalt  }
0x56: {  	_ =	shalt  }
0x57: {  	_ =	shalt  }
0x58: {  	_ =	shalt  }
0x59: {  	_ =	shalt  }
0x5a: {  	_ =	shalt  }
0x5b: {  	_ =	shalt  }
0x5c: {  	_ =	shalt  }
0x5d: {  	_ =	shalt  }
0x5e: {  	_ =	shalt  }
0x5f: {  	_ =	shalt  }
0x60: {  	_ =	shalt  }
0x61: {  	_ =	shalt  }
0x62: {  	_ =	shalt  }
0x63: {  	_ =	shalt  }
0x64: {  	_ =	shalt  }
0x65: {  	_ =	shalt  }
0x66: {  	_ =	shalt  }
0x67: {  	_ =	shalt  }
0x68: {  	_ =	shalt  }
0x69: {  	_ =	shalt  }
0x6a: {  	_ =	shalt  }
0x6b: {  	_ =	shalt  }
0x6c: {  	_ =	shalt  }
0x6d: {  	_ =	shalt  }
0x6e: {  	_ =	shalt  }
0x6f: {  	_ =	shalt  }
0x70: {  	_ =	shalt  }
0x71: {  	_ =	shalt  }
0x72: {  	_ =	shalt  }
0x73: {  	_ =	shalt  }
0x74: {  	_ =	shalt  }
0x75: {  	_ =	shalt  }
0x76: {  	_ =	shalt  }
0x77: {  	_ =	shalt  }
0x78: {  	_ =	shalt  }
0x79: {  	_ =	shalt  }
0x7a: {  	_ =	shalt  }
0x7b: {  	_ =	shalt  }
0x7c: {  	_ =	shalt  }
0x7d: {  	_ =	shalt  }
0x7e: {  	_ =	shalt  }
0x7f: {  	_ =	shalt  }
0x80: {  	_ =	shalt  }
0x81: {  	_ =	shalt  }
0x82: {  	_ =	shalt  }
0x83: {  	_ =	shalt  }
0x84: {  	_ =	shalt  }
0x85: {  	_ =	shalt  }
0x86: {  	_ =	shalt  }
0x87: {  	_ =	shalt  }
.Lfunc_end0:
.L_simem_size_0:
called_computation.3_lowered:
.L_overlay_start_0:
0x88: {  	s2 =	sld [smem:$0x3FD9]  }
0x89: {  	s3 =	sld [smem:$0x3FFE];
	_ =	sdelay $0x1  }
0x8a: {  	s1 =	srdreg.scid  }
0x8b: {  	s0 =	sand.u32 $0x1, s1  }
0x8c: {  	s17 =	sshll.u32 s0, $0xA;
	s2 =	sadd.s32 s3, s2  }
0x8d: {  	s2 =	sadd.s32 s2, s17  }
0x8e: {  	[smem:$0x3FBD] =	sst s2  }
0x8f: {  	_ = 	snop  }
0x90: {  	s2 =	sld [smem:$0x3FD0];
	(tm) =	ssettm $0x1  }
0x91: {  	s18 =	sld [smem:$0x3FFB];
	_ =	sdelay $0x3  }
0x92: {  	_ =	strace s18  }
0x93: {  	s3 =	sld [smem:$0x3FFC];
	_ =	sdelay $0x3  }
0x94: {  	_ =	strace s3  }
0x95: {  	s3 =	sld [smem:$0x3FFD];
	_ =	sdelay $0x3  }
0x96: {  	_ =	strace s3  }
0x97: {  	_ =	strace $0x8FFFFFFF  }
0x98: {  	s19 =	sld [smem:$0x3FDB];
	_ =	sdelay $0x1  }
0x99: {  	s4 =	simm.s32 $_scs_section_size  }
0x9a: {  	s5 =	simm.s32 $_size__tile_overlayer_lowered;
	s6 =	simm.s32 $_tile_overlayer_lowered  }
0x9b: {  	s22 =	simm.s32 $0x1BFF;
	s21 =	sshll.u32 s6, $0x1;
	s3 =	sadd.s32 s4, s19  }
0x9c: {  	s7 =	simm.s32 $0x0;
	s20 =	sshll.u32 s5, $0x1;
	s5 =	sadd.s32 s21, s3  }
0x9d: {  	[timem:s7], [sflag:s22] =	dma.local [hbm:s5], s20  }
0x9e: {  	_ =	swait.ge [sflag:s22], s20  }
0x9f: {  	s4 =	ssub.s32 $0x0, s20;
	[sflag:s22] =	ssyncset.done $0x0  }
0xa0: {  	[sflag:s22] =	ssyncadd.s32 s4;
	_ =	sdelay $0x1  }
0xa1: {  	s23 =	simm.s32 $0x1B8B  }
0xa2: {  	_ =	swait.ge [sflag:s23], $0x1  }
0xa3: {  	[sflag:s23] =	ssyncset.done $0x0  }
0xa4: {  	s25 =	simm.s32 $0x1B8E;
	s24 =	sld [smem:$0x3FFE];
	[sflag:s23] =	ssyncadd.s32 $0xFFFFFFFF  }
0xa5: {  	s26 =	simm.s32 $execute0_lowered;
	[smem:$0x3FD2] =	sst s25  }
0xa6: {  	s5 =	sshll.u32 s26, $0x1;
	_ =	strace $0x8000004F;
	[dreg:$0x1] =	wrdreg $0xFFFFFFFF  }
0xa7: {  	s28 =	simm.s32 $_size_execute0_lowered;
	s3 =	sadd.s32 s3, s5;
	[dreg:$0x0] =	wrdreg $0x0  }
0xa8: {  	s5 =	sshll.u32 s28, $0x1;
	[dreg:$0x2] =	wrdreg s3  }
0xa9: {  	[dreg:$0x3] =	wrdreg s5  }
0xaa: {  	[dreg:$0x4] =	wrdreg $0xC0  }
0xab: {  	_ =	task [dreg:s7], $0x5FFFF  }
0xac: {  	[dreg:$0x1] =	wrdreg $0xFFFFFFFF  }
0xad: {  	[dreg:$0x0] =	wrdreg $0x60  }
0xae: {  	[dreg:$0x2] =	wrdreg s2  }
0xaf: {  	[dreg:$0x3] =	wrdreg s24  }
0xb0: {  	[dreg:$0x4] =	wrdreg $0x41000  }
0xb1: {  	[dreg:$0x5] =	wrdreg $0x9  }
0xb2: {  	_ =	task.clear_ibuf [dreg:s7], $0x6FFFF;
	_ =	strace $0x9000004F  }
0xb3: {  	s29 =	simm.s32 $0x9;
	_ =	strace $0x80000051  }
0xb4: {  	_ =	swait.ge [sflag:s29], $0x1  }
0xb5: {  	[sflag:s29] =	ssyncadd.s32 $0xFFFFFFFF  }
0xb6: {  	_ =	strace $0x90000051  }
0xb7: {  	_ =	sfence  }
0xb8: {  	s30 =	sld [smem:$0x0];
	_ =	sdelay $0x2  }
0xb9: {  	s31 =	sshll.u32 s1, $0xD;
	s1 =	sshrl.u32 s1, $0x2  }
0xba: {  	s3 =	sand.u32 $0x4000, s31;
	s1 =	sadd.s32 s1, s30  }
0xbb: {  	s0 =	sor.u32 s3, s0;
	s1 =	sshll.u32 s1, $0x11  }
0xbc: {  	s0 =	sor.u32 s1, s0  }
0xbd: {  	s0 =	sadd.s32 $0x8F2B, s0  }
0xbe: {  	[sflag:s0] =	ssyncadd.remote.s32 $0x1  }
0xbf: {  	_ =	sfence.sel $0xFFFF  }
0xc0: {  	[dreg:$0x0] =	wrdreg $0xFFFFFFFF;
	(pc) =	sbr.abs _section_cstart, $3  }
0xc1: {  	[dreg:$0x1] =	wrdreg $0xFFFFFFFF  }
0xc2: {  	_ =	task.clear_ibuf [dreg:s7], $0x2FFFF;
	_ =	strace $0x9FFFFFFF  }
0xc3: {  	(tm) =	ssettm $0x7FFFFFFF  }
tec
execute0_lowered:
.L_overlay_start_1:
0x0: {  	(tag) =	ssettag $0x1  }
0x1: {  	s1 =	rddreg [dreg:$0x0]  }
0x2: {  	s5 =	rddreg [dreg:$0x1]  }
0x3: {  	s0 =	srdreg.scid;
	s2 =	rddreg [dreg:$0x2]  }
0x4: {  	s4 =	simm.s32 $0x0;
	s3 =	stileid.u32;
	s13 =	simm.s32 $0x100  }
0x5: {  	s14 =	simm.s32 $0x2;
	s15 =	simm.s32 $0x80;
	s9 =	smul.u32 $0x50000, s3  }
0x6: {  	s16 =	simm.s32 $0x1;
	s20 =	simm.s32 $0x0;
	s11 =	smul.u32 $0x500, s3  }
0x7: {  	s6 =	sand.u32 $0x1, s0;
	s0 =	rddreg [dreg:$0x3];
	s18 =	smul.u32 $0x2800, s3  }
0x8: {  	[smem:$0x7FF] =	sst s4;
	s31 =	sshll.u32 s3, $0x6;
	s7 =	smul.u32 $0x5000, s6  }
0x9: {  	s8 =	smul.u32 $0x28000, s6;
	s6 =	ssub.s32 $0x2, s6;
	_ =	strace $0x80000050  }
0xa: {  	s29 =	sshrl.u32 s6, $0x1;
	s30 =	sshrl.u32 s9, $0x2;
	s10 =	sadd.s32 s7, s5  }
0xb: {  	s8 =	sadd.s32 s8, s5;
	s6 =	ssub.s32 s6, s29;
	s5 =	sadd.s32 s30, s2  }
0xc: {  	s17 =	sadd.s32 $0x69600, s8;
	s6 =	smax.u32 s6, $0x1;
	s7 =	sadd.s32 $0x4000, s5  }
0xd: {  	s8 =	sadd.s32 $0x8000, s5;
	s9 =	sadd.s32 $0xC000, s5;
	s12 =	sadd.s32 s11, s10  }
0xe: {  	s10 =	sadd.s32 $0x10000, s5;
	s19 =	sshrl.u32 s5, $0x3;
	s11 =	sadd.s32 $0x5600, s12  }
0xf: {  	v0 =	vimm.f32 $0.0e+00;
	s12 =	sadd.s32 $0x5F600, s12;
	s17 =	sadd.s32 s18, s17;
	s18 =	sor.u32 $0x1C02, s31  }
.LBB2_1:
0x10: {  	s21 =	sand.u32 $0xFE00, s4  }
0x11: {  	s22 =	sand.u32 $0x70, s4;
	s23 =	sshrl.u32 s21, $0x2  }
0x12: {  	s21 =	simm.s32 $0x40;
	s23 =	sor.u32 s22, s23;
	s22 =	simm.s32 $0x0  }
.LBB2_2:
0x13: {  	p0 =	sne.s32 s21, $0xFFC0  }
0x14: {  	[tilespmem:s23+$0x100] =	vst v0;
	s22 =	sadd.s32 $0x10, s22;
	s23 =	smov.u32 s21;
	s21 =	sadd.s32 $0x40, s21  }
.Ltmp0:
0x15: {  	(pc) =	sbr.rel @p0 .LBB2_2-.Ltmp0, $4  }
0x16: {  	_ = 	snop  }
0x17: {  	s23 =	sand.u32 $0xFE00, s23  }
0x18: {  	s24 =	sand.u32 $0x70, s22;
	s23 =	sshrl.u32 s23, $0x2  }
0x19: {  	s23 =	sor.u32 s24, s23  }
0x1a: {  	[tilespmem:s23+$0x100] =	vst v0  }
0x1b: {  	[spmem:s5] =	stream.linear.scatter [tilespmem:s13], [sflag:$0x2], $0x4000, $0x38;
	[tilespmem:$0x18100] =	vst v63  }
0x1c: {  	_ =	swait.ge [sflag:s14], $0x4000  }
0x1d: {  	[sflag:s14] =	ssyncset.done $0x0  }
0x1e: {  	[sflag:s14] =	ssyncadd.s32 $0xFFFFC000  }
0x1f: {  	[spmem:s7] =	stream.linear.scatter [tilespmem:s13], [sflag:$0x2], $0x4000, $0x38;
	[tilespmem:$0x18100] =	vst v63  }
0x20: {  	_ =	swait.ge [sflag:s14], $0x4000  }
0x21: {  	[sflag:s14] =	ssyncset.done $0x0  }
0x22: {  	[sflag:s14] =	ssyncadd.s32 $0xFFFFC000  }
0x23: {  	[spmem:s8] =	stream.linear.scatter [tilespmem:s13], [sflag:$0x2], $0x4000, $0x38;
	[tilespmem:$0x18100] =	vst v63  }
0x24: {  	_ =	swait.ge [sflag:s14], $0x4000  }
0x25: {  	[sflag:s14] =	ssyncset.done $0x0  }
0x26: {  	[sflag:s14] =	ssyncadd.s32 $0xFFFFC000  }
0x27: {  	[spmem:s9] =	stream.linear.scatter [tilespmem:s13], [sflag:$0x2], $0x4000, $0x38;
	[tilespmem:$0x18100] =	vst v63  }
0x28: {  	_ =	swait.ge [sflag:s14], $0x4000  }
0x29: {  	[sflag:s14] =	ssyncset.done $0x0  }
0x2a: {  	[sflag:s14] =	ssyncadd.s32 $0xFFFFC000  }
0x2b: {  	[spmem:s10] =	stream.linear.scatter [tilespmem:s13], [sflag:$0x2], $0x4000, $0x38;
	[tilespmem:$0x18100] =	vst v63  }
0x2c: {  	_ =	swait.ge [sflag:s14], $0x4000  }
0x2d: {  	[sflag:s14] =	ssyncset.done $0x0  }
0x2e: {  	[sflag:s14] =	ssyncadd.s32 $0xFFFFC000  }
0x2f: {  	s21 =	sadd.s32 $0x0, s12;
	[bflag:$0x0] =	sbarrier.arrive $0xFFFF  }
0x30: {  	[tilespmem:s4], [sflag:$0x2] =	stream.linear.gather [hbm4b:s21+s4], $0x80, $0x38;
	[tilespmem:$0x18100] =	vst v63  }
0x31: {  	_ =	swait.ge [sflag:s14], $0x80  }
0x32: {  	[sflag:s14] =	ssyncset.done $0x0  }
0x33: {  	s31 =	sadd.s32 $0x0, s11;
	[sflag:s14] =	ssyncadd.s32 $0xFFFFFF80  }
0x34: {  	[tilespmem:s15], [sflag:$0x2] =	stream.linear.gather [hbm4b:s31+s4], $0x80, $0x38;
	[tilespmem:$0x18100] =	vst v63  }
0x35: {  	_ =	swait.ge [sflag:s14], $0x80  }
0x36: {  	[sflag:s14] =	ssyncset.done $0x0  }
0x37: {  	[sflag:s14] =	ssyncadd.s32 $0xFFFFFF80  }
0x38: {  	[tilespmem:s13], [sflag:$0x1] =	stream.indirect.gather [hbm4b:s1+s15], $0x80, s4, s15, $0xb8;
	[tilespmem:$0x18100] =	vst v63  }
0x39: {  	_ =	swait.ge [sflag:s16], $0x4000  }
0x3a: {  	[sflag:s16] =	ssyncset.done $0x0  }
0x3b: {  	[sflag:s16] =	ssyncadd.s32 $0xFFFFC000  }
0x3c: {  	[spmem:s2] =	stream.indirect.scatter.add.f32 [tilespmem:s13], [sflag:$0x2], $0x80, s15, s15, $0xb8;
	[tilespmem:$0x18100] =	vst v63  }
0x3d: {  	_ =	swait.ge [sflag:s14], $0x4000  }
0x3e: {  	s22 =	simm.s32 $0x20;
	s21 =	simm.s32 $0x10;
	[sflag:s14] =	ssyncset.done $0x0  }
.LBB2_4:
0x3f: {  	s23 =	sadd.s32 s21, s12  }
0x40: {  	[sflag:s14] =	ssyncadd.s32 $0xFFFFC000;
	s24 =	smov.u32 s22;
	s25 =	sadd.s32 $0x10, s22  }
0x41: {  	[tilespmem:s4], [sflag:$0x2] =	stream.linear.gather [hbm4b:s23+s4], $0x80, $0x38;
	[tilespmem:$0x18100] =	vst v63  }
0x42: {  	p0 =	sne.s32 s22, $0x4F0;
	_ =	swait.ge [sflag:s14], $0x80  }
0x43: {  	[sflag:s14] =	ssyncset.done $0x0  }
0x44: {  	s22 =	sadd.s32 s21, s11;
	s21 =	smov.u32 s24;
	[sflag:s14] =	ssyncadd.s32 $0xFFFFFF80  }
0x45: {  	[tilespmem:s15], [sflag:$0x2] =	stream.linear.gather [hbm4b:s22+s4], $0x80, $0x38;
	[tilespmem:$0x18100] =	vst v63  }
0x46: {  	_ =	swait.ge [sflag:s14], $0x80  }
0x47: {  	[sflag:s14] =	ssyncset.done $0x0  }
0x48: {  	[sflag:s14] =	ssyncadd.s32 $0xFFFFFF80  }
0x49: {  	[tilespmem:s13], [sflag:$0x1] =	stream.indirect.gather [hbm4b:s1+s15], $0x80, s4, s15, $0xb8;
	[tilespmem:$0x18100] =	vst v63  }
0x4a: {  	_ =	swait.ge [sflag:s16], $0x4000  }
.Ltmp1:
0x4b: {  	[sflag:s16] =	ssyncset.done $0x0;
	(pc) =	sbr.rel @p0 .LBB2_4-.Ltmp1, $4  }
0x4c: {  	[sflag:s16] =	ssyncadd.s32 $0xFFFFC000  }
0x4d: {  	[spmem:s2] =	stream.indirect.scatter.add.f32 [tilespmem:s13], [sflag:$0x2], $0x80, s15, s15, $0xb8;
	[tilespmem:$0x18100] =	vst v63  }
0x4e: {  	_ =	swait.ge [sflag:s14], $0x4000  }
0x4f: {  	s22 =	smov.u32 s25;
	[sflag:s14] =	ssyncset.done $0x0  }
0x50: {  	s22 =	sadd.s32 s21, s12;
	[sflag:s14] =	ssyncadd.s32 $0xFFFFC000  }
0x51: {  	[tilespmem:s4], [sflag:$0x2] =	stream.linear.gather [hbm4b:s22+s4], $0x80, $0x38;
	[tilespmem:$0x18100] =	vst v63  }
0x52: {  	_ =	swait.ge [sflag:s14], $0x80  }
0x53: {  	[sflag:s14] =	ssyncset.done $0x0  }
0x54: {  	s31 =	sadd.s32 s21, s11;
	[sflag:s14] =	ssyncadd.s32 $0xFFFFFF80  }
0x55: {  	[tilespmem:s15], [sflag:$0x2] =	stream.linear.gather [hbm4b:s31+s4], $0x80, $0x38;
	[tilespmem:$0x18100] =	vst v63  }
0x56: {  	_ =	swait.ge [sflag:s14], $0x80  }
0x57: {  	[sflag:s14] =	ssyncset.done $0x0  }
0x58: {  	[sflag:s14] =	ssyncadd.s32 $0xFFFFFF80  }
0x59: {  	[tilespmem:s13], [sflag:$0x1] =	stream.indirect.gather [hbm4b:s1+s15], $0x80, s4, s15, $0xb8;
	[tilespmem:$0x18100] =	vst v63  }
0x5a: {  	_ =	swait.ge [sflag:s16], $0x4000  }
0x5b: {  	[sflag:s16] =	ssyncset.done $0x0  }
0x5c: {  	[sflag:s16] =	ssyncadd.s32 $0xFFFFC000  }
0x5d: {  	[spmem:s2] =	stream.indirect.scatter.add.f32 [tilespmem:s13], [sflag:$0x2], $0x80, s15, s15, $0xb8;
	[tilespmem:$0x18100] =	vst v63  }
0x5e: {  	_ =	swait.ge [sflag:s14], $0x4000  }
0x5f: {  	s20 =	sadd.s32 $0x1, s20;
	[sflag:s14] =	ssyncset.done $0x0  }
0x60: {  	p0 =	sne.s32 s20, s6;
	[sflag:s14] =	ssyncadd.s32 $0xFFFFC000  }
.Ltmp2:
0x61: {  	[bflag:$0x0] =	sbarrier.arrive $0xFFFF;
	(pc) =	sbr.rel @p0 .LBB2_1-.Ltmp2, $4  }
0x62: {  	[hbm:s17], [sflag:s18] =	dma.local [spmem:s19], $0x2800  }
0x63: {  	_ =	swait.ge [sflag:s14], $0x2800  }
0x64: {  	[sflag:s14] =	ssyncset.done $0x0  }
0x65: {  	[sflag:s14] =	ssyncadd.s32 $0xFFFFD800  }
0x66: {  	_ =	sfence.sel $0x180000  }
0x67: {  	[bflag:$0x0] =	sbarrier.arrive $0xFFFF  }
0x68: {  	p0 =	sne.s32 s3, $0x0;
	_ =	strace $0x90000050  }
0x69: {  	s0 =	sadd.s32 @!p0 $0x100000, s0;
	[bflag:$0x2] =	sbarrier.arrive $0xFFFF  }
0x6a: {  	[sflag:s0] =	ssyncadd.tile.s32 @!p0 $0x1;
	_ =	shalt  }
.Lfunc_end2:
_tile_overlayer_lowered:
.L_overlay_start_2:
0x6b: {  	(tag) =	ssettag $0x2  }
0x6c: {  	s0 =	rddreg [dreg:$0x0];
	s2 =	stileid.u32  }
0x6d: {  	s1 =	rddreg [dreg:$0x1];
	p0 =	sne.s32 s2, $0x0  }
0x6e: {  	s3 =	rddreg [dreg:$0x2];
	[bflag:$0x3] =	sbarrier.arrive $0xFFFF;
	s2 =	simm.s32 @!p0 $0x1C02  }
0x6f: {  	[timem:s3], [sflag:s2] =	dma.local @!p0 [hbm:s0], s1  }
0x70: {  	s0 =	simm.s32 @!p0 $0x2  }
0x71: {  	_ =	swait.ge @!p0 [sflag:s0], s1  }
0x72: {  	s1 =	ssub.s32 @!p0 $0x0, s1;
	[sflag:s0] =	ssyncset.done @!p0 $0x0  }
0x73: {  	[sflag:s0] =	ssyncadd.s32 @!p0 s1  }
0x74: {  	[bflag:$0x3] =	sbarrier.arrive $0xFFFF  }
0x75: {  	_ =	shalt  }

</sc_bundles>
